<compile_context>
chip_gen: v7x
topology: tpu7x:2x2x1
jax: 0.10.2.dev20260603
libtpu: 0.0.44.dev20260713+nightly
codegen_flags: <defaults>
</compile_context>

<pallas_src>
import functools

import jax
import jax.numpy as jnp
from jax import lax
from jax.experimental import pallas as pl
from jax.experimental.pallas import tpu as pltpu
from jax.experimental.pallas import tpu_sc as plsc

N = 10000
E = 320000
D = 128

NW = 32
EPW = E // NW
NRD = 79
EPD = NRD * 128

EPT = E // 16
NRA = 160
EPA = NRA * 128
GC = 16

NP = 10240
SEG = NP // 16

HALF = NP // 2
AGG_ROWS = 5248
SEGA = AGG_ROWS // 16

PAD_DST = NP - 1

_MESH = plsc.VectorSubcoreMesh(core_axis_name="c", subcore_axis_name="s")


@functools.partial(
    pl.kernel,
    out_type=jax.ShapeDtypeStruct((2, NP, 16), jnp.float32),
    mesh=_MESH,
    scratch_types=[
        pltpu.VMEM((NRD, 128), jnp.int32),
        pltpu.VMEM((16, 16), jnp.float32),
        pltpu.VMEM_SHARED((NP, 16), jnp.float32),
    ],
)
def _deg_kernel(pk_hbm, z16_hbm, out_hbm, didx_v, ones_v, hist_sh):
    cid = lax.axis_index("c")
    sid = lax.axis_index("s")
    wid = sid * 2 + cid

    ones16 = jnp.ones((16,), jnp.float32)

    def _fill_ones(i, _):
        ones_v[i, :] = ones16
        return 0

    lax.fori_loop(0, 16, _fill_ones, 0)

    seg0 = sid * SEG
    pltpu.sync_copy(z16_hbm, hist_sh.at[pl.ds(seg0, SEG)])

    pltpu.sync_copy(pk_hbm.at[wid], didx_v)

    def _unpack(i, _):
        def _u16(k, _):
            sl = pl.ds(k * 16, 16)
            didx_v[i, sl] = lax.shift_right_logical(didx_v[i, sl], 14)
            return 0

        lax.fori_loop(0, 8, _u16, 0)
        return 0

    lax.fori_loop(0, NRD, _unpack, 0)
    plsc.subcore_barrier()

    def _chunk(c, _):
        def _sub(k, _):
            pltpu.sync_copy(
                ones_v, hist_sh.at[didx_v.at[c, pl.ds(k * 16, 16)]],
                add=True)
            return 0

        lax.fori_loop(0, 8, _sub, 0)
        return 0

    lax.fori_loop(0, NRD, _chunk, 0)
    plsc.subcore_barrier()

    pltpu.sync_copy(hist_sh.at[pl.ds(seg0, SEG)],
                    out_hbm.at[cid, pl.ds(seg0, SEG)])


@functools.partial(
    pl.kernel,
    out_type=jax.ShapeDtypeStruct((2, HALF, D), jnp.float32),
    mesh=_MESH,
    scratch_types=[
        pltpu.VMEM((NRA, 128), jnp.int32),
        pltpu.VMEM((NRA, 128), jnp.int32),
        pltpu.VMEM((GC, D), jnp.float32),
        pltpu.VMEM_SHARED((AGG_ROWS, D), jnp.float32),
    ],
)
def _agg_kernel(y_hbm, pk_hbm, z128_hbm, out_hbm,
                didx_v, sidx_v, rows_v, agg_sh):
    cid = lax.axis_index("c")
    sid = lax.axis_index("s")

    lo = cid * HALF

    sega0 = sid * SEGA

    def _zs(k, _):
        pltpu.sync_copy(z128_hbm, agg_sh.at[pl.ds(sega0 + k * 64, 64)])
        return 0

    lax.fori_loop(0, SEGA // 64, _zs, 0)
    pltpu.sync_copy(z128_hbm.at[pl.ds(0, 8)],
                    agg_sh.at[pl.ds(sega0 + 320, 8)])

    pltpu.sync_copy(pk_hbm.at[sid], didx_v)

    def _unpack(i, _):
        def _u16(k, _):
            sl = pl.ds(k * 16, 16)
            v = didx_v[i, sl]
            sidx_v[i, sl] = v & 16383
            local = lax.shift_right_logical(v, 14) - lo
            ok = (local >= 0) & (local < HALF)
            didx_v[i, sl] = jnp.where(ok, local, HALF)
            return 0

        lax.fori_loop(0, 8, _u16, 0)
        return 0

    lax.fori_loop(0, NRA, _unpack, 0)
    plsc.subcore_barrier()

    def _edge_chunk(c, _):
        def _sub(k, _):
            sl = pl.ds(k * GC, GC)
            pltpu.sync_copy(y_hbm.at[sidx_v.at[c, sl]], rows_v)
            pltpu.sync_copy(rows_v, agg_sh.at[didx_v.at[c, sl]],
                            add=True)
            return 0

        lax.fori_loop(0, 8, _sub, 0)
        return 0

    lax.fori_loop(0, NRA, _edge_chunk, 0)
    plsc.subcore_barrier()

    @pl.when(sid < 15)
    def _():
        pltpu.sync_copy(agg_sh.at[pl.ds(sega0, SEGA)],
                        out_hbm.at[cid, pl.ds(sega0, SEGA)])

    @pl.when(sid == 15)
    def _():
        n_left = HALF - 15 * SEGA
        pltpu.sync_copy(agg_sh.at[pl.ds(15 * SEGA, n_left)],
                        out_hbm.at[cid, pl.ds(15 * SEGA, n_left)])


RY = 1000


def _y_body(h_ref, m_ref, w_ref, xw_ref, y_ref, dinv_ref):
    deg = h_ref[0, :, :1] + h_ref[1, :, :1] + 1.0
    dinv = lax.rsqrt(deg)
    dinv_ref[...] = dinv
    xw = jnp.dot(m_ref[...], w_ref[...], preferred_element_type=jnp.float32)
    xw_ref[...] = xw
    y_ref[...] = xw * dinv


_y_call = pl.pallas_call(
    _y_body,
    grid=(N // RY,),
    in_specs=[
        pl.BlockSpec((2, RY, 16), lambda i: (0, i, 0)),
        pl.BlockSpec((RY, D), lambda i: (i, 0)),
        pl.BlockSpec((D, D), lambda i: (0, 0)),
    ],
    out_specs=[
        pl.BlockSpec((RY, D), lambda i: (i, 0)),
        pl.BlockSpec((RY, D), lambda i: (i, 0)),
        pl.BlockSpec((RY, 1), lambda i: (i, 0)),
    ],
    out_shape=[
        jax.ShapeDtypeStruct((N, D), jnp.float32),
        jax.ShapeDtypeStruct((N, D), jnp.float32),
        jax.ShapeDtypeStruct((N, 1), jnp.float32),
    ],
)


RF = 512
PB = HALF // RF


def _final_body(p_ref, xw_ref, dinv_ref, b_ref, o_ref):
    dinv = dinv_ref[...]
    o_ref[...] = jnp.maximum(
        dinv * p_ref[0] + dinv * dinv * xw_ref[...] + b_ref[...], 0.0)


_final_call = pl.pallas_call(
    _final_body,
    grid=(NP // RF,),
    in_specs=[
        pl.BlockSpec((1, RF, D), lambda i: (i // PB, i % PB, 0)),
        pl.BlockSpec((RF, D), lambda i: (i, 0)),
        pl.BlockSpec((RF, 1), lambda i: (i, 0)),
        pl.BlockSpec((1, D), lambda i: (0, 0)),
    ],
    out_specs=pl.BlockSpec((RF, D), lambda i: (i, 0)),
    out_shape=jax.ShapeDtypeStruct((NP, D), jnp.float32),
)


def kernel(map_tensor, edge_index, W, b):
    ei = edge_index.astype(jnp.int32)
    packed = ei[0] | (ei[1] << 14)
    padval = jnp.int32(PAD_DST << 14)
    pk_deg = jnp.pad(packed.reshape(NW, EPW), ((0, 0), (0, EPD - EPW)),
                     constant_values=padval).reshape(NW, NRD, 128)
    pk_agg = jnp.pad(packed.reshape(16, EPT), ((0, 0), (0, EPA - EPT)),
                     constant_values=padval).reshape(16, NRA, 128)
    z16 = jnp.zeros((SEG, 16), jnp.float32)
    z128 = jnp.zeros((64, D), jnp.float32)

    hist = _deg_kernel(pk_deg, z16)
    xw, y, dinv = _y_call(hist, map_tensor, W)
    p = _agg_kernel(y, pk_agg, z128)
    return _final_call(p, xw, dinv, b.reshape(1, D))[:N]

# --- scband reference (transcript-rebuilt; emitter-appended) ---
"""Pipeline reference for scband-map-embedding-block-52415780880741 (READ-ONLY COPY).

The authoritative reference and input builder live on the scoring server;
editing this copy changes nothing except your own understanding.
"""

import jax, jax.numpy as jnp
import numpy as np

N_NODES = 10000
N_EDGES = 320000
D = 128


def setup_inputs(seed: int = 0) -> dict:
    key = jax.random.key(seed)
    k1, k2, k3 = jax.random.split(key, 3)
    map_tensor = jax.random.normal(k1, (N_NODES, D), dtype=jnp.float32)
    edge_index = jax.random.randint(k2, (2, N_EDGES), 0, N_NODES, dtype=jnp.int64)
    # GCNConv learned parameters: weight [in, out], bias [out]
    W = jax.random.normal(k3, (D, D), dtype=jnp.float32) * (1.0 / np.sqrt(D))
    b = jnp.zeros((D,), dtype=jnp.float32)
    return {"map_tensor": map_tensor, "edge_index": edge_index, "W": W, "b": b}


def reference(map_tensor, edge_index, W, b):
    # Faithful GCNConv (torch_geometric) with add_self_loops=True, normalize=True,
    # followed by ReLU activation (MapEmbeddingBlock.forward).
    N = map_tensor.shape[0]
    loop = jnp.arange(N, dtype=edge_index.dtype)
    src = jnp.concatenate([edge_index[0], loop])
    dst = jnp.concatenate([edge_index[1], loop])
    # linear transform first (PyG applies lin before propagate)
    x = map_tensor @ W
    # symmetric normalization: deg computed over dst (col) with unit edge weights
    ones_e = jnp.ones(src.shape[0], dtype=x.dtype)
    deg = jax.ops.segment_sum(ones_e, dst, num_segments=N)
    deg_inv_sqrt = jnp.where(deg > 0, jax.lax.rsqrt(jnp.maximum(deg, 1e-12)), 0.0)
    norm = deg_inv_sqrt[src] * deg_inv_sqrt[dst]
    # message = norm * x_j ; aggregate = scatter-add over dst
    msgs = x[src] * norm[:, None]
    out = jax.ops.segment_sum(msgs, dst, num_segments=N)
    out = out + b
    return jax.nn.relu(out)

if __name__ == "__main__":
    import jax
    _d = setup_inputs()
    print(jax.jit(kernel)(*tuple(_d.values())))

</pallas_src>

<mosaic_0001>
#map = affine_map<(d0, d1) -> (0, 0, 0)>
#map1 = affine_map<(d0, d1) -> (0, 0)>
module attributes {stable_mosaic.version = 14 : i64} {
  func.func @_deg_kernel(%arg0: i32, %arg1: i32, %arg2: memref<32x79x128xi32, #tpu.memory_space<hbm>>, %arg3: memref<640x16xf32, #tpu.memory_space<hbm>>, %arg4: memref<2x10240x16xf32, #tpu.memory_space<hbm>>, %arg5: memref<79x128xi32, #tpu.memory_space<vmem>>, %arg6: memref<16x16xf32, #tpu.memory_space<vmem>>, %arg7: memref<10240x16xf32, #tpu.memory_space<vmem_shared>>) attributes {dimension_semantics = [#tpu.dimension_semantics<core_parallel>, #tpu.dimension_semantics<subcore_parallel>], iteration_bounds = array<i64: 2, 16>, scalar_prefetch = 0 : i64, scratch_operands = 3 : i64, tpu.core_type = #tpu.core_type<sc_vector_subcore>, window_params = [{transform_indices = #map}, {transform_indices = #map1}, {transform_indices = #map}]} {
    %mul3A = arith.constant 2 : i32
    %mul3A_0 = arith.muli %arg1, %mul3A : i32
    %add3A = arith.addi %mul3A_0, %arg0 : i32
    %broadcast_in_dim3A = arith.constant 1.000000e+00 : f32
    %broadcast_in_dim3A_1 = vector.broadcast %broadcast_in_dim3A : f32 to vector<16xf32>
    %scan3A = arith.constant 0 : i32
    %scan3A_2 = arith.constant 0 : i32
    %scan3A_3 = arith.constant 16 : i32
    %scan3A_4 = arith.addi %scan3A_2, %scan3A_3 : i32
    %scan3A_5 = arith.constant 1 : i32
    %scan3A_6 = scf.for %scan3A_25 = %scan3A_2 to %scan3A_4 step %scan3A_5 iter_args(%scan3A_26 = %scan3A) -> (i32)  : i32 {
      %swap3A = arith.index_cast %scan3A_25 : i32 to index
      %swap3A_27 = arith.constant 0 : index
      %swap3A_28 = tpu.vector_load %arg6[%swap3A, %swap3A_27] {strides = array<i32>} : memref<16x16xf32, #tpu.memory_space<vmem>>, vector<1x16xf32>,
      %swap3A_29 = vector.shape_cast %swap3A_28 : vector<1x16xf32> to vector<16xf32>
      %swap3A_30 = vector.shape_cast %broadcast_in_dim3A_1 : vector<16xf32> to vector<1x16xf32>
      tpu.vector_store %arg6[%swap3A, %swap3A_27], %swap3A_30 {strides = array<i32>} : memref<16x16xf32, #tpu.memory_space<vmem>>, vector<1x16xf32>,
      %scan3A_31 = arith.constant 0 : i32
      scf.yield %scan3A_31 : i32
    }
    %scan3A_7 = arith.constant 16 : i32
    %mul3A_8 = arith.constant 640 : i32
    %mul3A_9 = arith.muli %arg1, %mul3A_8 : i32
    "tpu.region"() ({
      %run_scoped3A = tpu.sem_alloc : memref<!tpu.dma_semaphore, #tpu.memory_space<semaphore_mem>>
      %dma_start3A = arith.constant 0 : i32
      %dma_start3A_25 = tpu.memref_slice %arg7[%mul3A_9, %dma_start3A] : memref<10240x16xf32, #tpu.memory_space<vmem_shared>> -> memref<640x16xf32, #tpu.memory_space<vmem_shared>>
      tpu.enqueue_dma source(%arg3 : memref<640x16xf32, #tpu.memory_space<hbm>>) target(%dma_start3A_25 : memref<640x16xf32, #tpu.memory_space<vmem_shared>>) target_semaphore(%run_scoped3A : memref<!tpu.dma_semaphore, #tpu.memory_space<semaphore_mem>>)
      %dma_wait3A = arith.constant 0 : i32
      %dma_wait3A_26 = tpu.memref_slice %arg7[%mul3A_9, %dma_wait3A] : memref<10240x16xf32, #tpu.memory_space<vmem_shared>> -> memref<640x16xf32, #tpu.memory_space<vmem_shared>>
      tpu.wait_dma2 semaphore(%run_scoped3A : memref<!tpu.dma_semaphore, #tpu.memory_space<semaphore_mem>>) src(%arg3 : memref<640x16xf32, #tpu.memory_space<hbm>>) dst(%dma_wait3A_26 : memref<640x16xf32, #tpu.memory_space<vmem_shared>>)
      tpu.yield
    }) : () -> ()
    "tpu.region"() ({
      %run_scoped3A = tpu.sem_alloc : memref<!tpu.dma_semaphore, #tpu.memory_space<semaphore_mem>>
      %dma_start3A = arith.constant 0 : i32
      %dma_start3A_25 = arith.constant 0 : i32
      %dma_start3A_26 = tpu.memref_slice %arg2[%add3A, %dma_start3A, %dma_start3A_25] : memref<32x79x128xi32, #tpu.memory_space<hbm>> -> memref<1x79x128xi32, #tpu.memory_space<hbm>>
      %dma_start3A_27 = tpu.memref_squeeze %dma_start3A_26 : memref<1x79x128xi32, #tpu.memory_space<hbm>> -> memref<79x128xi32, #tpu.memory_space<hbm>>
      %dma_start3A_28 = arith.constant 0 : i32
      %dma_start3A_29 = arith.constant 0 : i32
      %dma_start3A_30 = tpu.memref_slice %arg2[%add3A, %dma_start3A_28, %dma_start3A_29] : memref<32x79x128xi32, #tpu.memory_space<hbm>> -> memref<1x79x128xi32, #tpu.memory_space<hbm>>
      %dma_start3A_31 = tpu.memref_squeeze %dma_start3A_30 : memref<1x79x128xi32, #tpu.memory_space<hbm>> -> memref<79x128xi32, #tpu.memory_space<hbm>>
      tpu.enqueue_dma source(%dma_start3A_31 : memref<79x128xi32, #tpu.memory_space<hbm>>) target(%arg5 : memref<79x128xi32, #tpu.memory_space<vmem>>) target_semaphore(%run_scoped3A : memref<!tpu.dma_semaphore, #tpu.memory_space<semaphore_mem>>)
      %dma_wait3A = arith.constant 0 : i32
      %dma_wait3A_32 = arith.constant 0 : i32
      %dma_wait3A_33 = tpu.memref_slice %arg2[%add3A, %dma_wait3A, %dma_wait3A_32] : memref<32x79x128xi32, #tpu.memory_space<hbm>> -> memref<1x79x128xi32, #tpu.memory_space<hbm>>
      %dma_wait3A_34 = tpu.memref_squeeze %dma_wait3A_33 : memref<1x79x128xi32, #tpu.memory_space<hbm>> -> memref<79x128xi32, #tpu.memory_space<hbm>>
      %dma_wait3A_35 = arith.constant 0 : i32
      %dma_wait3A_36 = arith.constant 0 : i32
      %dma_wait3A_37 = tpu.memref_slice %arg2[%add3A, %dma_wait3A_35, %dma_wait3A_36] : memref<32x79x128xi32, #tpu.memory_space<hbm>> -> memref<1x79x128xi32, #tpu.memory_space<hbm>>
      %dma_wait3A_38 = tpu.memref_squeeze %dma_wait3A_37 : memref<1x79x128xi32, #tpu.memory_space<hbm>> -> memref<79x128xi32, #tpu.memory_space<hbm>>
      tpu.wait_dma2 semaphore(%run_scoped3A : memref<!tpu.dma_semaphore, #tpu.memory_space<semaphore_mem>>) src(%dma_wait3A_38 : memref<79x128xi32, #tpu.memory_space<hbm>>) dst(%arg5 : memref<79x128xi32, #tpu.memory_space<vmem>>)
      tpu.yield
    }) : () -> ()
    %scan3A_10 = arith.constant 0 : i32
    %scan3A_11 = arith.constant 0 : i32
    %scan3A_12 = arith.constant 79 : i32
    %scan3A_13 = arith.addi %scan3A_11, %scan3A_12 : i32
    %scan3A_14 = arith.constant 1 : i32
    %scan3A_15 = scf.for %scan3A_25 = %scan3A_11 to %scan3A_13 step %scan3A_14 iter_args(%scan3A_26 = %scan3A_10) -> (i32)  : i32 {
      %scan3A_27 = arith.constant 0 : i32
      %scan3A_28 = arith.constant 0 : i32
      %scan3A_29 = arith.constant 8 : i32
      %scan3A_30 = arith.addi %scan3A_28, %scan3A_29 : i32
      %scan3A_31 = arith.constant 1 : i32
      %scan3A_32 = scf.for %scan3A_35 = %scan3A_28 to %scan3A_30 step %scan3A_31 iter_args(%scan3A_36 = %scan3A_27) -> (i32)  : i32 {
        %mul3A_37 = arith.constant 16 : i32
        %mul3A_38 = arith.muli %scan3A_35, %mul3A_37 : i32
        %get3A = arith.index_cast %scan3A_25 : i32 to index
        %get3A_39 = arith.index_cast %mul3A_38 : i32 to index
        %get3A_40 = tpu.vector_load %arg5[%get3A, %get3A_39] {strides = array<i32>} : memref<79x128xi32, #tpu.memory_space<vmem>>, vector<1x16xi32>,
        %get3A_41 = vector.shape_cast %get3A_40 : vector<1x16xi32> to vector<16xi32>
        %shift_right_logical3A = arith.constant 14 : i32
        %shift_right_logical3A_42 = vector.broadcast %shift_right_logical3A : i32 to vector<16xi32>
        %shift_right_logical3A_43 = arith.shrui %get3A_41, %shift_right_logical3A_42 : vector<16xi32>
        %swap3A = arith.index_cast %scan3A_25 : i32 to index
        %swap3A_44 = arith.index_cast %mul3A_38 : i32 to index
        %swap3A_45 = tpu.vector_load %arg5[%swap3A, %swap3A_44] {strides = array<i32>} : memref<79x128xi32, #tpu.memory_space<vmem>>, vector<1x16xi32>,
        %swap3A_46 = vector.shape_cast %swap3A_45 : vector<1x16xi32> to vector<16xi32>
        %swap3A_47 = vector.shape_cast %shift_right_logical3A_43 : vector<16xi32> to vector<1x16xi32>
        tpu.vector_store %arg5[%swap3A, %swap3A_44], %swap3A_47 {strides = array<i32>} : memref<79x128xi32, #tpu.memory_space<vmem>>, vector<1x16xi32>,
        %scan3A_48 = arith.constant 0 : i32
        scf.yield %scan3A_48 : i32
      }
      %scan3A_33 = arith.constant 8 : i32
      %scan3A_34 = arith.constant 0 : i32
      scf.yield %scan3A_34 : i32
    }
    %scan3A_16 = arith.constant 79 : i32
    %barrier3A = arith.constant 0 : index
    tpu.barrier barrier_id(%barrier3A)
    %scan3A_17 = arith.constant 0 : i32
    %scan3A_18 = arith.constant 0 : i32
    %scan3A_19 = arith.constant 79 : i32
    %scan3A_20 = arith.addi %scan3A_18, %scan3A_19 : i32
    %scan3A_21 = arith.constant 1 : i32
    %scan3A_22 = scf.for %scan3A_25 = %scan3A_18 to %scan3A_20 step %scan3A_21 iter_args(%scan3A_26 = %scan3A_17) -> (i32)  : i32 {
      %scan3A_27 = arith.constant 0 : i32
      %scan3A_28 = arith.constant 0 : i32
      %scan3A_29 = arith.constant 8 : i32
      %scan3A_30 = arith.addi %scan3A_28, %scan3A_29 : i32
      %scan3A_31 = arith.constant 1 : i32
      %scan3A_32 = scf.for %scan3A_35 = %scan3A_28 to %scan3A_30 step %scan3A_31 iter_args(%scan3A_36 = %scan3A_27) -> (i32)  : i32 {
        %mul3A_37 = arith.constant 16 : i32
        %mul3A_38 = arith.muli %scan3A_35, %mul3A_37 : i32
        "tpu.region"() ({
          %run_scoped3A = tpu.sem_alloc : memref<!tpu.dma_semaphore, #tpu.memory_space<semaphore_mem>>
          %dma_start3A = tpu.memref_slice %arg5[%scan3A_25, %mul3A_38] : memref<79x128xi32, #tpu.memory_space<vmem>> -> memref<1x16xi32, #tpu.memory_space<vmem>>
          %dma_start3A_40 = tpu.memref_squeeze %dma_start3A : memref<1x16xi32, #tpu.memory_space<vmem>> -> memref<16xi32, #tpu.memory_space<vmem>>
          %dma_start3A_41 = arith.constant 0 : i32
          %dma_start3A_42 = arith.constant 0 : i32
          %dma_start3A_43 = tpu.memref_slice %arg7[%dma_start3A_41, %dma_start3A_42] : memref<10240x16xf32, #tpu.memory_space<vmem_shared>> -> memref<10240x16xf32, #tpu.memory_space<vmem_shared>>
          tpu.enqueue_indirect_dma source(%arg6 : memref<16x16xf32, #tpu.memory_space<vmem>>) target(%dma_start3A_43 : memref<10240x16xf32, #tpu.memory_space<vmem_shared>>) offsets(%dma_start3A_40 : memref<16xi32, #tpu.memory_space<vmem>>) semaphore(%run_scoped3A : memref<!tpu.dma_semaphore, #tpu.memory_space<semaphore_mem>>) {add = true}
          %dma_wait3A = tpu.memref_slice %arg5[%scan3A_25, %mul3A_38] : memref<79x128xi32, #tpu.memory_space<vmem>> -> memref<1x16xi32, #tpu.memory_space<vmem>>
          %dma_wait3A_44 = tpu.memref_squeeze %dma_wait3A : memref<1x16xi32, #tpu.memory_space<vmem>> -> memref<16xi32, #tpu.memory_space<vmem>>
          %dma_wait3A_45 = arith.constant 0 : i32
          %dma_wait3A_46 = arith.constant 0 : i32
          %dma_wait3A_47 = tpu.memref_slice %arg7[%dma_wait3A_45, %dma_wait3A_46] : memref<10240x16xf32, #tpu.memory_space<vmem_shared>> -> memref<10240x16xf32, #tpu.memory_space<vmem_shared>>
          tpu.wait_indirect_dma semaphore(%run_scoped3A : memref<!tpu.dma_semaphore, #tpu.memory_space<semaphore_mem>>) src(%arg6 : memref<16x16xf32, #tpu.memory_space<vmem>>) dst(%dma_wait3A_47 : memref<10240x16xf32, #tpu.memory_space<vmem_shared>>)
          tpu.yield
        }) : () -> ()
        %scan3A_39 = arith.constant 0 : i32
        scf.yield %scan3A_39 : i32
      }
      %scan3A_33 = arith.constant 8 : i32
      %scan3A_34 = arith.constant 0 : i32
      scf.yield %scan3A_34 : i32
    }
    %scan3A_23 = arith.constant 79 : i32
    %barrier3A_24 = arith.constant 0 : index
    tpu.barrier barrier_id(%barrier3A_24)
    "tpu.region"() ({
      %run_scoped3A = tpu.sem_alloc : memref<!tpu.dma_semaphore, #tpu.memory_space<semaphore_mem>>
      %dma_start3A = arith.constant 0 : i32
      %dma_start3A_25 = tpu.memref_slice %arg4[%arg0, %mul3A_9, %dma_start3A] : memref<2x10240x16xf32, #tpu.memory_space<hbm>> -> memref<1x640x16xf32, #tpu.memory_space<hbm>>
      %dma_start3A_26 = tpu.memref_squeeze %dma_start3A_25 : memref<1x640x16xf32, #tpu.memory_space<hbm>> -> memref<640x16xf32, #tpu.memory_space<hbm>>
      %dma_start3A_27 = arith.constant 0 : i32
      %dma_start3A_28 = tpu.memref_slice %arg7[%mul3A_9, %dma_start3A_27] : memref<10240x16xf32, #tpu.memory_space<vmem_shared>> -> memref<640x16xf32, #tpu.memory_space<vmem_shared>>
      tpu.enqueue_dma source(%dma_start3A_28 : memref<640x16xf32, #tpu.memory_space<vmem_shared>>) target(%dma_start3A_26 : memref<640x16xf32, #tpu.memory_space<hbm>>) target_semaphore(%run_scoped3A : memref<!tpu.dma_semaphore, #tpu.memory_space<semaphore_mem>>)
      %dma_wait3A = arith.constant 0 : i32
      %dma_wait3A_29 = tpu.memref_slice %arg4[%arg0, %mul3A_9, %dma_wait3A] : memref<2x10240x16xf32, #tpu.memory_space<hbm>> -> memref<1x640x16xf32, #tpu.memory_space<hbm>>
      %dma_wait3A_30 = tpu.memref_squeeze %dma_wait3A_29 : memref<1x640x16xf32, #tpu.memory_space<hbm>> -> memref<640x16xf32, #tpu.memory_space<hbm>>
      %dma_wait3A_31 = arith.constant 0 : i32
      %dma_wait3A_32 = tpu.memref_slice %arg7[%mul3A_9, %dma_wait3A_31] : memref<10240x16xf32, #tpu.memory_space<vmem_shared>> -> memref<640x16xf32, #tpu.memory_space<vmem_shared>>
      tpu.wait_dma2 semaphore(%run_scoped3A : memref<!tpu.dma_semaphore, #tpu.memory_space<semaphore_mem>>) src(%dma_wait3A_32 : memref<640x16xf32, #tpu.memory_space<vmem_shared>>) dst(%dma_wait3A_30 : memref<640x16xf32, #tpu.memory_space<hbm>>)
      tpu.yield
    }) : () -> ()
    return
  }
}

#map = affine_map<(d0, d1) -> (0, 0)>
#map1 = affine_map<(d0, d1) -> (0, 0, 0)>
module attributes {stable_mosaic.version = 14 : i64} {
  func.func @_agg_kernel(%arg0: i32, %arg1: i32, %arg2: memref<10000x128xf32, #tpu.memory_space<hbm>>, %arg3: memref<16x160x128xi32, #tpu.memory_space<hbm>>, %arg4: memref<64x128xf32, #tpu.memory_space<hbm>>, %arg5: memref<2x5120x128xf32, #tpu.memory_space<hbm>>, %arg6: memref<160x128xi32, #tpu.memory_space<vmem>>, %arg7: memref<160x128xi32, #tpu.memory_space<vmem>>, %arg8: memref<16x128xf32, #tpu.memory_space<vmem>>, %arg9: memref<5248x128xf32, #tpu.memory_space<vmem_shared>>) attributes {dimension_semantics = [#tpu.dimension_semantics<core_parallel>, #tpu.dimension_semantics<subcore_parallel>], iteration_bounds = array<i64: 2, 16>, scalar_prefetch = 0 : i64, scratch_operands = 4 : i64, tpu.core_type = #tpu.core_type<sc_vector_subcore>, window_params = [{transform_indices = #map}, {transform_indices = #map1}, {transform_indices = #map}, {transform_indices = #map1}]} {
    %mul3A = arith.constant 5120 : i32
    %mul3A_0 = arith.muli %arg0, %mul3A : i32
    %mul3A_1 = arith.constant 328 : i32
    %mul3A_2 = arith.muli %arg1, %mul3A_1 : i32
    %scan3A = arith.constant 0 : i32
    %scan3A_3 = arith.constant 0 : i32
    %scan3A_4 = arith.constant 5 : i32
    %scan3A_5 = arith.addi %scan3A_3, %scan3A_4 : i32
    %scan3A_6 = arith.constant 1 : i32
    %scan3A_7 = scf.for %scan3A_31 = %scan3A_3 to %scan3A_5 step %scan3A_6 iter_args(%scan3A_32 = %scan3A) -> (i32)  : i32 {
      %mul3A_33 = arith.constant 64 : i32
      %mul3A_34 = arith.muli %scan3A_31, %mul3A_33 : i32
      %add3A_35 = arith.addi %mul3A_2, %mul3A_34 : i32
      "tpu.region"() ({
        %run_scoped3A = tpu.sem_alloc : memref<!tpu.dma_semaphore, #tpu.memory_space<semaphore_mem>>
        %dma_start3A = arith.constant 0 : i32
        %dma_start3A_37 = tpu.memref_slice %arg9[%add3A_35, %dma_start3A] : memref<5248x128xf32, #tpu.memory_space<vmem_shared>> -> memref<64x128xf32, #tpu.memory_space<vmem_shared>>
        tpu.enqueue_dma source(%arg4 : memref<64x128xf32, #tpu.memory_space<hbm>>) target(%dma_start3A_37 : memref<64x128xf32, #tpu.memory_space<vmem_shared>>) target_semaphore(%run_scoped3A : memref<!tpu.dma_semaphore, #tpu.memory_space<semaphore_mem>>)
        %dma_wait3A = arith.constant 0 : i32
        %dma_wait3A_38 = tpu.memref_slice %arg9[%add3A_35, %dma_wait3A] : memref<5248x128xf32, #tpu.memory_space<vmem_shared>> -> memref<64x128xf32, #tpu.memory_space<vmem_shared>>
        tpu.wait_dma2 semaphore(%run_scoped3A : memref<!tpu.dma_semaphore, #tpu.memory_space<semaphore_mem>>) src(%arg4 : memref<64x128xf32, #tpu.memory_space<hbm>>) dst(%dma_wait3A_38 : memref<64x128xf32, #tpu.memory_space<vmem_shared>>)
        tpu.yield
      }) : () -> ()
      %scan3A_36 = arith.constant 0 : i32
      scf.yield %scan3A_36 : i32
    }
    %scan3A_8 = arith.constant 5 : i32
    %add3A = arith.constant 320 : i32
    %add3A_9 = arith.addi %mul3A_2, %add3A : i32
    "tpu.region"() ({
      %run_scoped3A = tpu.sem_alloc : memref<!tpu.dma_semaphore, #tpu.memory_space<semaphore_mem>>
      %dma_start3A = arith.constant 0 : i32
      %dma_start3A_31 = tpu.memref_slice %arg9[%add3A_9, %dma_start3A] : memref<5248x128xf32, #tpu.memory_space<vmem_shared>> -> memref<8x128xf32, #tpu.memory_space<vmem_shared>>
      %dma_start3A_32 = arith.constant 0 : i32
      %dma_start3A_33 = arith.constant 0 : i32
      %dma_start3A_34 = tpu.memref_slice %arg4[%dma_start3A_32, %dma_start3A_33] : memref<64x128xf32, #tpu.memory_space<hbm>> -> memref<8x128xf32, #tpu.memory_space<hbm>>
      tpu.enqueue_dma source(%dma_start3A_34 : memref<8x128xf32, #tpu.memory_space<hbm>>) target(%dma_start3A_31 : memref<8x128xf32, #tpu.memory_space<vmem_shared>>) target_semaphore(%run_scoped3A : memref<!tpu.dma_semaphore, #tpu.memory_space<semaphore_mem>>)
      %dma_wait3A = arith.constant 0 : i32
      %dma_wait3A_35 = tpu.memref_slice %arg9[%add3A_9, %dma_wait3A] : memref<5248x128xf32, #tpu.memory_space<vmem_shared>> -> memref<8x128xf32, #tpu.memory_space<vmem_shared>>
      %dma_wait3A_36 = arith.constant 0 : i32
      %dma_wait3A_37 = arith.constant 0 : i32
      %dma_wait3A_38 = tpu.memref_slice %arg4[%dma_wait3A_36, %dma_wait3A_37] : memref<64x128xf32, #tpu.memory_space<hbm>> -> memref<8x128xf32, #tpu.memory_space<hbm>>
      tpu.wait_dma2 semaphore(%run_scoped3A : memref<!tpu.dma_semaphore, #tpu.memory_space<semaphore_mem>>) src(%dma_wait3A_38 : memref<8x128xf32, #tpu.memory_space<hbm>>) dst(%dma_wait3A_35 : memref<8x128xf32, #tpu.memory_space<vmem_shared>>)
      tpu.yield
    }) : () -> ()
    "tpu.region"() ({
      %run_scoped3A = tpu.sem_alloc : memref<!tpu.dma_semaphore, #tpu.memory_space<semaphore_mem>>
      %dma_start3A = arith.constant 0 : i32
      %dma_start3A_31 = arith.constant 0 : i32
      %dma_start3A_32 = tpu.memref_slice %arg3[%arg1, %dma_start3A, %dma_start3A_31] : memref<16x160x128xi32, #tpu.memory_space<hbm>> -> memref<1x160x128xi32, #tpu.memory_space<hbm>>
      %dma_start3A_33 = tpu.memref_squeeze %dma_start3A_32 : memref<1x160x128xi32, #tpu.memory_space<hbm>> -> memref<160x128xi32, #tpu.memory_space<hbm>>
      %dma_start3A_34 = arith.constant 0 : i32
      %dma_start3A_35 = arith.constant 0 : i32
      %dma_start3A_36 = tpu.memref_slice %arg3[%arg1, %dma_start3A_34, %dma_start3A_35] : memref<16x160x128xi32, #tpu.memory_space<hbm>> -> memref<1x160x128xi32, #tpu.memory_space<hbm>>
      %dma_start3A_37 = tpu.memref_squeeze %dma_start3A_36 : memref<1x160x128xi32, #tpu.memory_space<hbm>> -> memref<160x128xi32, #tpu.memory_space<hbm>>
      tpu.enqueue_dma source(%dma_start3A_37 : memref<160x128xi32, #tpu.memory_space<hbm>>) target(%arg6 : memref<160x128xi32, #tpu.memory_space<vmem>>) target_semaphore(%run_scoped3A : memref<!tpu.dma_semaphore, #tpu.memory_space<semaphore_mem>>)
      %dma_wait3A = arith.constant 0 : i32
      %dma_wait3A_38 = arith.constant 0 : i32
      %dma_wait3A_39 = tpu.memref_slice %arg3[%arg1, %dma_wait3A, %dma_wait3A_38] : memref<16x160x128xi32, #tpu.memory_space<hbm>> -> memref<1x160x128xi32, #tpu.memory_space<hbm>>
      %dma_wait3A_40 = tpu.memref_squeeze %dma_wait3A_39 : memref<1x160x128xi32, #tpu.memory_space<hbm>> -> memref<160x128xi32, #tpu.memory_space<hbm>>
      %dma_wait3A_41 = arith.constant 0 : i32
      %dma_wait3A_42 = arith.constant 0 : i32
      %dma_wait3A_43 = tpu.memref_slice %arg3[%arg1, %dma_wait3A_41, %dma_wait3A_42] : memref<16x160x128xi32, #tpu.memory_space<hbm>> -> memref<1x160x128xi32, #tpu.memory_space<hbm>>
      %dma_wait3A_44 = tpu.memref_squeeze %dma_wait3A_43 : memref<1x160x128xi32, #tpu.memory_space<hbm>> -> memref<160x128xi32, #tpu.memory_space<hbm>>
      tpu.wait_dma2 semaphore(%run_scoped3A : memref<!tpu.dma_semaphore, #tpu.memory_space<semaphore_mem>>) src(%dma_wait3A_44 : memref<160x128xi32, #tpu.memory_space<hbm>>) dst(%arg6 : memref<160x128xi32, #tpu.memory_space<vmem>>)
      tpu.yield
    }) : () -> ()
    %scan3A_10 = arith.constant 0 : i32
    %scan3A_11 = arith.constant 0 : i32
    %scan3A_12 = arith.constant 160 : i32
    %scan3A_13 = arith.addi %scan3A_11, %scan3A_12 : i32
    %scan3A_14 = arith.constant 1 : i32
    %scan3A_15 = scf.for %scan3A_31 = %scan3A_11 to %scan3A_13 step %scan3A_14 iter_args(%scan3A_32 = %scan3A_10) -> (i32)  : i32 {
      %scan3A_33 = arith.constant 0 : i32
      %scan3A_34 = arith.constant 0 : i32
      %scan3A_35 = arith.constant 8 : i32
      %scan3A_36 = arith.addi %scan3A_34, %scan3A_35 : i32
      %scan3A_37 = arith.constant 1 : i32
      %scan3A_38 = scf.for %scan3A_41 = %scan3A_34 to %scan3A_36 step %scan3A_37 iter_args(%scan3A_42 = %scan3A_33) -> (i32)  : i32 {
        %mul3A_43 = arith.constant 16 : i32
        %mul3A_44 = arith.muli %scan3A_41, %mul3A_43 : i32
        %get3A = arith.index_cast %scan3A_31 : i32 to index
        %get3A_45 = arith.index_cast %mul3A_44 : i32 to index
        %get3A_46 = tpu.vector_load %arg6[%get3A, %get3A_45] {strides = array<i32>} : memref<160x128xi32, #tpu.memory_space<vmem>>, vector<1x16xi32>,
        %get3A_47 = vector.shape_cast %get3A_46 : vector<1x16xi32> to vector<16xi32>
        %and3A = arith.constant 16383 : i32
        %and3A_48 = vector.broadcast %and3A : i32 to vector<16xi32>
        %and3A_49 = arith.andi %get3A_47, %and3A_48 : vector<16xi32>
        %swap3A = arith.index_cast %scan3A_31 : i32 to index
        %swap3A_50 = arith.index_cast %mul3A_44 : i32 to index
        %swap3A_51 = tpu.vector_load %arg7[%swap3A, %swap3A_50] {strides = array<i32>} : memref<160x128xi32, #tpu.memory_space<vmem>>, vector<1x16xi32>,
        %swap3A_52 = vector.shape_cast %swap3A_51 : vector<1x16xi32> to vector<16xi32>
        %swap3A_53 = vector.shape_cast %and3A_49 : vector<16xi32> to vector<1x16xi32>
        tpu.vector_store %arg7[%swap3A, %swap3A_50], %swap3A_53 {strides = array<i32>} : memref<160x128xi32, #tpu.memory_space<vmem>>, vector<1x16xi32>,
        %shift_right_logical3A = arith.constant 14 : i32
        %shift_right_logical3A_54 = vector.broadcast %shift_right_logical3A : i32 to vector<16xi32>
        %shift_right_logical3A_55 = arith.shrui %get3A_47, %shift_right_logical3A_54 : vector<16xi32>
        %sub3A = vector.broadcast %mul3A_0 : i32 to vector<16xi32>
        %sub3A_56 = arith.subi %shift_right_logical3A_55, %sub3A : vector<16xi32>
        %ge3A = arith.constant 0 : i32
        %ge3A_57 = vector.broadcast %ge3A : i32 to vector<16xi32>
        %ge3A_58 = arith.cmpi sge, %sub3A_56, %ge3A_57 : vector<16xi32>
        %lt3A_59 = arith.constant 5120 : i32
        %lt3A_60 = vector.broadcast %lt3A_59 : i32 to vector<16xi32>
        %lt3A_61 = arith.cmpi slt, %sub3A_56, %lt3A_60 : vector<16xi32>
        %and3A_62 = arith.andi %ge3A_58, %lt3A_61 : vector<16xi1>
        %jit3A = arith.constant 5120 : i32
        %broadcast_in_dim3A = vector.broadcast %jit3A : i32 to vector<16xi32>
        %select_n3A = arith.select %and3A_62, %sub3A_56, %broadcast_in_dim3A : vector<16xi1>, vector<16xi32>
        %swap3A_63 = arith.index_cast %scan3A_31 : i32 to index
        %swap3A_64 = arith.index_cast %mul3A_44 : i32 to index
        %swap3A_65 = tpu.vector_load %arg6[%swap3A_63, %swap3A_64] {strides = array<i32>} : memref<160x128xi32, #tpu.memory_space<vmem>>, vector<1x16xi32>,
        %swap3A_66 = vector.shape_cast %swap3A_65 : vector<1x16xi32> to vector<16xi32>
        %swap3A_67 = vector.shape_cast %select_n3A : vector<16xi32> to vector<1x16xi32>
        tpu.vector_store %arg6[%swap3A_63, %swap3A_64], %swap3A_67 {strides = array<i32>} : memref<160x128xi32, #tpu.memory_space<vmem>>, vector<1x16xi32>,
        %scan3A_68 = arith.constant 0 : i32
        scf.yield %scan3A_68 : i32
      }
      %scan3A_39 = arith.constant 8 : i32
      %scan3A_40 = arith.constant 0 : i32
      scf.yield %scan3A_40 : i32
    }
    %scan3A_16 = arith.constant 160 : i32
    %barrier3A = arith.constant 0 : index
    tpu.barrier barrier_id(%barrier3A)
    %scan3A_17 = arith.constant 0 : i32
    %scan3A_18 = arith.constant 0 : i32
    %scan3A_19 = arith.constant 160 : i32
    %scan3A_20 = arith.addi %scan3A_18, %scan3A_19 : i32
    %scan3A_21 = arith.constant 1 : i32
    %scan3A_22 = scf.for %scan3A_31 = %scan3A_18 to %scan3A_20 step %scan3A_21 iter_args(%scan3A_32 = %scan3A_17) -> (i32)  : i32 {
      %scan3A_33 = arith.constant 0 : i32
      %scan3A_34 = arith.constant 0 : i32
      %scan3A_35 = arith.constant 8 : i32
      %scan3A_36 = arith.addi %scan3A_34, %scan3A_35 : i32
      %scan3A_37 = arith.constant 1 : i32
      %scan3A_38 = scf.for %scan3A_41 = %scan3A_34 to %scan3A_36 step %scan3A_37 iter_args(%scan3A_42 = %scan3A_33) -> (i32)  : i32 {
        %mul3A_43 = arith.constant 16 : i32
        %mul3A_44 = arith.muli %scan3A_41, %mul3A_43 : i32
        "tpu.region"() ({
          %run_scoped3A = tpu.sem_alloc : memref<!tpu.dma_semaphore, #tpu.memory_space<semaphore_mem>>
          %dma_start3A = tpu.memref_slice %arg7[%scan3A_31, %mul3A_44] : memref<160x128xi32, #tpu.memory_space<vmem>> -> memref<1x16xi32, #tpu.memory_space<vmem>>
          %dma_start3A_46 = tpu.memref_squeeze %dma_start3A : memref<1x16xi32, #tpu.memory_space<vmem>> -> memref<16xi32, #tpu.memory_space<vmem>>
          %dma_start3A_47 = arith.constant 0 : i32
          %dma_start3A_48 = arith.constant 0 : i32
          %dma_start3A_49 = tpu.memref_slice %arg2[%dma_start3A_47, %dma_start3A_48] : memref<10000x128xf32, #tpu.memory_space<hbm>> -> memref<10000x128xf32, #tpu.memory_space<hbm>>
          tpu.enqueue_indirect_dma source(%dma_start3A_49 : memref<10000x128xf32, #tpu.memory_space<hbm>>) target(%arg8 : memref<16x128xf32, #tpu.memory_space<vmem>>) offsets(%dma_start3A_46 : memref<16xi32, #tpu.memory_space<vmem>>) semaphore(%run_scoped3A : memref<!tpu.dma_semaphore, #tpu.memory_space<semaphore_mem>>)
          %dma_wait3A = tpu.memref_slice %arg7[%scan3A_31, %mul3A_44] : memref<160x128xi32, #tpu.memory_space<vmem>> -> memref<1x16xi32, #tpu.memory_space<vmem>>
          %dma_wait3A_50 = tpu.memref_squeeze %dma_wait3A : memref<1x16xi32, #tpu.memory_space<vmem>> -> memref<16xi32, #tpu.memory_space<vmem>>
          %dma_wait3A_51 = arith.constant 0 : i32
          %dma_wait3A_52 = arith.constant 0 : i32
          %dma_wait3A_53 = tpu.memref_slice %arg2[%dma_wait3A_51, %dma_wait3A_52] : memref<10000x128xf32, #tpu.memory_space<hbm>> -> memref<10000x128xf32, #tpu.memory_space<hbm>>
          tpu.wait_indirect_dma semaphore(%run_scoped3A : memref<!tpu.dma_semaphore, #tpu.memory_space<semaphore_mem>>) src(%dma_wait3A_53 : memref<10000x128xf32, #tpu.memory_space<hbm>>) dst(%arg8 : memref<16x128xf32, #tpu.memory_space<vmem>>)
          tpu.yield
        }) : () -> ()
        "tpu.region"() ({
          %run_scoped3A = tpu.sem_alloc : memref<!tpu.dma_semaphore, #tpu.memory_space<semaphore_mem>>
          %dma_start3A = tpu.memref_slice %arg6[%scan3A_31, %mul3A_44] : memref<160x128xi32, #tpu.memory_space<vmem>> -> memref<1x16xi32, #tpu.memory_space<vmem>>
          %dma_start3A_46 = tpu.memref_squeeze %dma_start3A : memref<1x16xi32, #tpu.memory_space<vmem>> -> memref<16xi32, #tpu.memory_space<vmem>>
          %dma_start3A_47 = arith.constant 0 : i32
          %dma_start3A_48 = arith.constant 0 : i32
          %dma_start3A_49 = tpu.memref_slice %arg9[%dma_start3A_47, %dma_start3A_48] : memref<5248x128xf32, #tpu.memory_space<vmem_shared>> -> memref<5248x128xf32, #tpu.memory_space<vmem_shared>>
          tpu.enqueue_indirect_dma source(%arg8 : memref<16x128xf32, #tpu.memory_space<vmem>>) target(%dma_start3A_49 : memref<5248x128xf32, #tpu.memory_space<vmem_shared>>) offsets(%dma_start3A_46 : memref<16xi32, #tpu.memory_space<vmem>>) semaphore(%run_scoped3A : memref<!tpu.dma_semaphore, #tpu.memory_space<semaphore_mem>>) {add = true}
          %dma_wait3A = tpu.memref_slice %arg6[%scan3A_31, %mul3A_44] : memref<160x128xi32, #tpu.memory_space<vmem>> -> memref<1x16xi32, #tpu.memory_space<vmem>>
          %dma_wait3A_50 = tpu.memref_squeeze %dma_wait3A : memref<1x16xi32, #tpu.memory_space<vmem>> -> memref<16xi32, #tpu.memory_space<vmem>>
          %dma_wait3A_51 = arith.constant 0 : i32
          %dma_wait3A_52 = arith.constant 0 : i32
          %dma_wait3A_53 = tpu.memref_slice %arg9[%dma_wait3A_51, %dma_wait3A_52] : memref<5248x128xf32, #tpu.memory_space<vmem_shared>> -> memref<5248x128xf32, #tpu.memory_space<vmem_shared>>
          tpu.wait_indirect_dma semaphore(%run_scoped3A : memref<!tpu.dma_semaphore, #tpu.memory_space<semaphore_mem>>) src(%arg8 : memref<16x128xf32, #tpu.memory_space<vmem>>) dst(%dma_wait3A_53 : memref<5248x128xf32, #tpu.memory_space<vmem_shared>>)
          tpu.yield
        }) : () -> ()
        %scan3A_45 = arith.constant 0 : i32
        scf.yield %scan3A_45 : i32
      }
      %scan3A_39 = arith.constant 8 : i32
      %scan3A_40 = arith.constant 0 : i32
      scf.yield %scan3A_40 : i32
    }
    %scan3A_23 = arith.constant 160 : i32
    %barrier3A_24 = arith.constant 0 : index
    tpu.barrier barrier_id(%barrier3A_24)
    %lt3A = arith.constant 15 : i32
    %lt3A_25 = arith.cmpi slt, %arg1, %lt3A : i32
    %convert_element_type3A = arith.extui %lt3A_25 : i1 to i32
    %cond3A = arith.constant 0 : i32
    %cond3A_26 = arith.cmpi ne, %convert_element_type3A, %cond3A : i32
    scf.if %cond3A_26 {
      "tpu.region"() ({
        %run_scoped3A = tpu.sem_alloc : memref<!tpu.dma_semaphore, #tpu.memory_space<semaphore_mem>>
        %dma_start3A = arith.constant 0 : i32
        %dma_start3A_31 = tpu.memref_slice %arg5[%arg0, %mul3A_2, %dma_start3A] : memref<2x5120x128xf32, #tpu.memory_space<hbm>> -> memref<1x328x128xf32, #tpu.memory_space<hbm>>
        %dma_start3A_32 = tpu.memref_squeeze %dma_start3A_31 : memref<1x328x128xf32, #tpu.memory_space<hbm>> -> memref<328x128xf32, #tpu.memory_space<hbm>>
        %dma_start3A_33 = arith.constant 0 : i32
        %dma_start3A_34 = tpu.memref_slice %arg9[%mul3A_2, %dma_start3A_33] : memref<5248x128xf32, #tpu.memory_space<vmem_shared>> -> memref<328x128xf32, #tpu.memory_space<vmem_shared>>
        tpu.enqueue_dma source(%dma_start3A_34 : memref<328x128xf32, #tpu.memory_space<vmem_shared>>) target(%dma_start3A_32 : memref<328x128xf32, #tpu.memory_space<hbm>>) target_semaphore(%run_scoped3A : memref<!tpu.dma_semaphore, #tpu.memory_space<semaphore_mem>>)
        %dma_wait3A = arith.constant 0 : i32
        %dma_wait3A_35 = tpu.memref_slice %arg5[%arg0, %mul3A_2, %dma_wait3A] : memref<2x5120x128xf32, #tpu.memory_space<hbm>> -> memref<1x328x128xf32, #tpu.memory_space<hbm>>
        %dma_wait3A_36 = tpu.memref_squeeze %dma_wait3A_35 : memref<1x328x128xf32, #tpu.memory_space<hbm>> -> memref<328x128xf32, #tpu.memory_space<hbm>>
        %dma_wait3A_37 = arith.constant 0 : i32
        %dma_wait3A_38 = tpu.memref_slice %arg9[%mul3A_2, %dma_wait3A_37] : memref<5248x128xf32, #tpu.memory_space<vmem_shared>> -> memref<328x128xf32, #tpu.memory_space<vmem_shared>>
        tpu.wait_dma2 semaphore(%run_scoped3A : memref<!tpu.dma_semaphore, #tpu.memory_space<semaphore_mem>>) src(%dma_wait3A_38 : memref<328x128xf32, #tpu.memory_space<vmem_shared>>) dst(%dma_wait3A_36 : memref<328x128xf32, #tpu.memory_space<hbm>>)
        tpu.yield
      }) : () -> ()
    } else {
    }
    %eq3A = arith.constant 15 : i32
    %eq3A_27 = arith.cmpi eq, %arg1, %eq3A : i32
    %convert_element_type3A_28 = arith.extui %eq3A_27 : i1 to i32
    %cond3A_29 = arith.constant 0 : i32
    %cond3A_30 = arith.cmpi ne, %convert_element_type3A_28, %cond3A_29 : i32
    scf.if %cond3A_30 {
      "tpu.region"() ({
        %run_scoped3A = tpu.sem_alloc : memref<!tpu.dma_semaphore, #tpu.memory_space<semaphore_mem>>
        %dma_start3A = arith.constant 4920 : i32
        %dma_start3A_31 = arith.constant 0 : i32
        %dma_start3A_32 = tpu.memref_slice %arg5[%arg0, %dma_start3A, %dma_start3A_31] : memref<2x5120x128xf32, #tpu.memory_space<hbm>> -> memref<1x200x128xf32, #tpu.memory_space<hbm>>
        %dma_start3A_33 = tpu.memref_squeeze %dma_start3A_32 : memref<1x200x128xf32, #tpu.memory_space<hbm>> -> memref<200x128xf32, #tpu.memory_space<hbm>>
        %dma_start3A_34 = arith.constant 4920 : i32
        %dma_start3A_35 = arith.constant 0 : i32
        %dma_start3A_36 = tpu.memref_slice %arg9[%dma_start3A_34, %dma_start3A_35] : memref<5248x128xf32, #tpu.memory_space<vmem_shared>> -> memref<200x128xf32, #tpu.memory_space<vmem_shared>>
        tpu.enqueue_dma source(%dma_start3A_36 : memref<200x128xf32, #tpu.memory_space<vmem_shared>>) target(%dma_start3A_33 : memref<200x128xf32, #tpu.memory_space<hbm>>) target_semaphore(%run_scoped3A : memref<!tpu.dma_semaphore, #tpu.memory_space<semaphore_mem>>)
        %dma_wait3A = arith.constant 4920 : i32
        %dma_wait3A_37 = arith.constant 0 : i32
        %dma_wait3A_38 = tpu.memref_slice %arg5[%arg0, %dma_wait3A, %dma_wait3A_37] : memref<2x5120x128xf32, #tpu.memory_space<hbm>> -> memref<1x200x128xf32, #tpu.memory_space<hbm>>
        %dma_wait3A_39 = tpu.memref_squeeze %dma_wait3A_38 : memref<1x200x128xf32, #tpu.memory_space<hbm>> -> memref<200x128xf32, #tpu.memory_space<hbm>>
        %dma_wait3A_40 = arith.constant 4920 : i32
        %dma_wait3A_41 = arith.constant 0 : i32
        %dma_wait3A_42 = tpu.memref_slice %arg9[%dma_wait3A_40, %dma_wait3A_41] : memref<5248x128xf32, #tpu.memory_space<vmem_shared>> -> memref<200x128xf32, #tpu.memory_space<vmem_shared>>
        tpu.wait_dma2 semaphore(%run_scoped3A : memref<!tpu.dma_semaphore, #tpu.memory_space<semaphore_mem>>) src(%dma_wait3A_42 : memref<200x128xf32, #tpu.memory_space<vmem_shared>>) dst(%dma_wait3A_39 : memref<200x128xf32, #tpu.memory_space<hbm>>)
        tpu.yield
      }) : () -> ()
    } else {
    }
    return
  }
}

module attributes {stable_mosaic.version = 14 : i64} {
  func.func @_y_body(%arg0: i32, %arg1: memref<2x1000x16xf32, #tpu.memory_space<vmem>>, %arg2: memref<1000x128xf32, #tpu.memory_space<vmem>>, %arg3: memref<128x128xf32, #tpu.memory_space<vmem>>, %arg4: memref<1000x128xf32, #tpu.memory_space<vmem>>, %arg5: memref<1000x128xf32, #tpu.memory_space<vmem>>, %arg6: memref<1000x1xf32, #tpu.memory_space<vmem>>) attributes {dimension_semantics = [#tpu.dimension_semantics<arbitrary>], iteration_bounds = array<i64: 10>, scalar_prefetch = 0 : i64, scratch_operands = 0 : i64, tpu.core_type = #tpu.core_type<tc>, window_params = [{transform_indices = @transform_0, window_bounds = array<i64: 2, 1000, 16>}, {transform_indices = @transform_1, window_bounds = array<i64: 1000, 128>}, {pipeline_mode = #tpu.pipeline_mode<synchronous>, transform_indices = @transform_2, window_bounds = array<i64: 128, 128>}, {transform_indices = @transform_3, window_bounds = array<i64: 1000, 128>}, {transform_indices = @transform_4, window_bounds = array<i64: 1000, 128>}, {transform_indices = @transform_5, window_bounds = array<i64: 1000, 1>}]} {
    %get3A = arith.constant 0 : index
    %get3A_0 = arith.constant 0 : index
    %get3A_1 = arith.constant 0 : index
    %get3A_2 = vector.load %arg1[%get3A, %get3A_0, %get3A_1] : memref<2x1000x16xf32, #tpu.memory_space<vmem>>, vector<1x1000x1xf32>
    %get3A_3 = vector.shape_cast %get3A_2 : vector<1x1000x1xf32> to vector<1000x1xf32>
    %get3A_4 = arith.constant 1 : index
    %get3A_5 = arith.constant 0 : index
    %get3A_6 = arith.constant 0 : index
    %get3A_7 = vector.load %arg1[%get3A_4, %get3A_5, %get3A_6] : memref<2x1000x16xf32, #tpu.memory_space<vmem>>, vector<1x1000x1xf32>
    %get3A_8 = vector.shape_cast %get3A_7 : vector<1x1000x1xf32> to vector<1000x1xf32>
    %add3A = arith.addf %get3A_3, %get3A_8 : vector<1000x1xf32>
    %add3A_9 = arith.constant 1.000000e+00 : f32
    %add3A_10 = vector.broadcast %add3A_9 : f32 to vector<1000x1xf32>
    %add3A_11 = arith.addf %add3A, %add3A_10 : vector<1000x1xf32>
    %rsqrt3A = math.rsqrt %add3A_11 : vector<1000x1xf32>
    %swap3A = arith.constant 0 : index
    %swap3A_12 = arith.constant 0 : index
    %swap3A_13 = vector.load %arg6[%swap3A, %swap3A_12] : memref<1000x1xf32, #tpu.memory_space<vmem>>, vector<1000x1xf32>
    tpu.vector_store %arg6[%swap3A, %swap3A_12], %rsqrt3A {strides = array<i32>} : memref<1000x1xf32, #tpu.memory_space<vmem>>, vector<1000x1xf32>,
    %get3A_14 = arith.constant 0 : index
    %get3A_15 = arith.constant 0 : index
    %get3A_16 = vector.load %arg2[%get3A_14, %get3A_15] : memref<1000x128xf32, #tpu.memory_space<vmem>>, vector<1000x128xf32>
    %get3A_17 = arith.constant 0 : index
    %get3A_18 = arith.constant 0 : index
    %get3A_19 = vector.load %arg3[%get3A_17, %get3A_18] : memref<128x128xf32, #tpu.memory_space<vmem>>, vector<128x128xf32>
    %dot_general3A = arith.constant dense<0.000000e+00> : vector<1000x128xf32>
    %dot_general3A_20 = tpu.matmul %get3A_16, %get3A_19, %dot_general3A {dimension_numbers = #tpu.dot_dimension_numbers<[1], [0], [0], [1], [0, 0, 1, 1], [], []>, transpose_lhs_hint = false} : vector<1000x128xf32>, vector<128x128xf32>, vector<1000x128xf32> -> vector<1000x128xf32>
    %swap3A_21 = arith.constant 0 : index
    %swap3A_22 = arith.constant 0 : index
    %swap3A_23 = vector.load %arg4[%swap3A_21, %swap3A_22] : memref<1000x128xf32, #tpu.memory_space<vmem>>, vector<1000x128xf32>
    tpu.vector_store %arg4[%swap3A_21, %swap3A_22], %dot_general3A_20 {strides = array<i32>} : memref<1000x128xf32, #tpu.memory_space<vmem>>, vector<1000x128xf32>,
    %mul3A = vector.broadcast %rsqrt3A : vector<1000x1xf32> to vector<1000x128xf32>
    %mul3A_24 = arith.mulf %dot_general3A_20, %mul3A : vector<1000x128xf32>
    %swap3A_25 = arith.constant 0 : index
    %swap3A_26 = arith.constant 0 : index
    %swap3A_27 = vector.load %arg5[%swap3A_25, %swap3A_26] : memref<1000x128xf32, #tpu.memory_space<vmem>>, vector<1000x128xf32>
    tpu.vector_store %arg5[%swap3A_25, %swap3A_26], %mul3A_24 {strides = array<i32>} : memref<1000x128xf32, #tpu.memory_space<vmem>>, vector<1000x128xf32>,
    return
  }
  func.func @transform_0(%arg0: i32) -> (i32, i32, i32) {
    %c0_i32 = arith.constant 0 : i32
    %c0_i32_0 = arith.constant 0 : i32
    %c0_i32_1 = arith.constant 0 : i32
    return %c0_i32, %arg0, %c0_i32_0 : i32, i32, i32
  }
  func.func @transform_1(%arg0: i32) -> (i32, i32) {
    %c0_i32 = arith.constant 0 : i32
    %c0_i32_0 = arith.constant 0 : i32
    return %arg0, %c0_i32 : i32, i32
  }
  func.func @transform_2(%arg0: i32) -> (i32, i32) {
    %c0_i32 = arith.constant 0 : i32
    %c0_i32_0 = arith.constant 0 : i32
    %c0_i32_1 = arith.constant 0 : i32
    return %c0_i32, %c0_i32_0 : i32, i32
  }
  func.func @transform_3(%arg0: i32) -> (i32, i32) {
    %c0_i32 = arith.constant 0 : i32
    %c0_i32_0 = arith.constant 0 : i32
    return %arg0, %c0_i32 : i32, i32
  }
  func.func @transform_4(%arg0: i32) -> (i32, i32) {
    %c0_i32 = arith.constant 0 : i32
    %c0_i32_0 = arith.constant 0 : i32
    return %arg0, %c0_i32 : i32, i32
  }
  func.func @transform_5(%arg0: i32) -> (i32, i32) {
    %c0_i32 = arith.constant 0 : i32
    %c0_i32_0 = arith.constant 0 : i32
    return %arg0, %c0_i32 : i32, i32
  }
}

module attributes {stable_mosaic.version = 14 : i64} {
  func.func @_final_body(%arg0: i32, %arg1: memref<1x512x128xf32, #tpu.memory_space<vmem>>, %arg2: memref<512x128xf32, #tpu.memory_space<vmem>>, %arg3: memref<512x1xf32, #tpu.memory_space<vmem>>, %arg4: memref<1x128xf32, #tpu.memory_space<vmem>>, %arg5: memref<512x128xf32, #tpu.memory_space<vmem>>) attributes {dimension_semantics = [#tpu.dimension_semantics<arbitrary>], iteration_bounds = array<i64: 20>, scalar_prefetch = 0 : i64, scratch_operands = 0 : i64, tpu.core_type = #tpu.core_type<tc>, window_params = [{transform_indices = @transform_0, window_bounds = array<i64: 1, 512, 128>}, {transform_indices = @transform_1, window_bounds = array<i64: 512, 128>}, {transform_indices = @transform_2, window_bounds = array<i64: 512, 1>}, {pipeline_mode = #tpu.pipeline_mode<synchronous>, transform_indices = @transform_3, window_bounds = array<i64: 1, 128>}, {transform_indices = @transform_4, window_bounds = array<i64: 512, 128>}]} {
    %get3A = arith.constant 0 : index
    %get3A_0 = arith.constant 0 : index
    %get3A_1 = vector.load %arg3[%get3A, %get3A_0] : memref<512x1xf32, #tpu.memory_space<vmem>>, vector<512x1xf32>
    %get3A_2 = arith.constant 0 : index
    %get3A_3 = arith.constant 0 : index
    %get3A_4 = arith.constant 0 : index
    %get3A_5 = vector.load %arg1[%get3A_2, %get3A_3, %get3A_4] : memref<1x512x128xf32, #tpu.memory_space<vmem>>, vector<1x512x128xf32>
    %get3A_6 = vector.shape_cast %get3A_5 : vector<1x512x128xf32> to vector<512x128xf32>
    %mul3A = vector.broadcast %get3A_1 : vector<512x1xf32> to vector<512x128xf32>
    %mul3A_7 = arith.mulf %mul3A, %get3A_6 : vector<512x128xf32>
    %mul3A_8 = arith.mulf %get3A_1, %get3A_1 : vector<512x1xf32>
    %get3A_9 = arith.constant 0 : index
    %get3A_10 = arith.constant 0 : index
    %get3A_11 = vector.load %arg2[%get3A_9, %get3A_10] : memref<512x128xf32, #tpu.memory_space<vmem>>, vector<512x128xf32>
    %mul3A_12 = vector.broadcast %mul3A_8 : vector<512x1xf32> to vector<512x128xf32>
    %mul3A_13 = arith.mulf %mul3A_12, %get3A_11 : vector<512x128xf32>
    %add3A = arith.addf %mul3A_7, %mul3A_13 : vector<512x128xf32>
    %get3A_14 = arith.constant 0 : index
    %get3A_15 = arith.constant 0 : index
    %get3A_16 = vector.load %arg4[%get3A_14, %get3A_15] : memref<1x128xf32, #tpu.memory_space<vmem>>, vector<1x128xf32>
    %add3A_17 = vector.broadcast %get3A_16 : vector<1x128xf32> to vector<512x128xf32>
    %add3A_18 = arith.addf %add3A, %add3A_17 : vector<512x128xf32>
    %max3A = arith.constant 0.000000e+00 : f32
    %max3A_19 = vector.broadcast %max3A : f32 to vector<512x128xf32>
    %max3A_20 = arith.maximumf %add3A_18, %max3A_19 : vector<512x128xf32>
    %swap3A = arith.constant 0 : index
    %swap3A_21 = arith.constant 0 : index
    %swap3A_22 = vector.load %arg5[%swap3A, %swap3A_21] : memref<512x128xf32, #tpu.memory_space<vmem>>, vector<512x128xf32>
    tpu.vector_store %arg5[%swap3A, %swap3A_21], %max3A_20 {strides = array<i32>} : memref<512x128xf32, #tpu.memory_space<vmem>>, vector<512x128xf32>,
    return
  }
  func.func @transform_0(%arg0: i32) -> (i32, i32, i32) {
    %jit3A = arith.constant 10 : i32
    %div3A = arith.divsi %arg0, %jit3A : i32
    %sign3A = arith.constant 0 : i32
    %sign3A_0 = arith.cmpi sgt, %arg0, %sign3A : i32
    %sign3A_1 = arith.extui %sign3A_0 : i1 to i32
    %sign3A_2 = arith.constant 0 : i32
    %sign3A_3 = arith.cmpi slt, %arg0, %sign3A_2 : i32
    %sign3A_4 = arith.extui %sign3A_3 : i1 to i32
    %sign3A_5 = arith.subi %sign3A_1, %sign3A_4 : i32
    %sign3A_6 = arith.constant 0 : i32
    %sign3A_7 = arith.cmpi sgt, %jit3A, %sign3A_6 : i32
    %sign3A_8 = arith.extui %sign3A_7 : i1 to i32
    %sign3A_9 = arith.constant 0 : i32
    %sign3A_10 = arith.cmpi slt, %jit3A, %sign3A_9 : i32
    %sign3A_11 = arith.extui %sign3A_10 : i1 to i32
    %sign3A_12 = arith.subi %sign3A_8, %sign3A_11 : i32
    %ne3A = arith.cmpi ne, %sign3A_5, %sign3A_12 : i32
    %rem3A = arith.remsi %arg0, %jit3A : i32
    %ne3A_13 = arith.constant 0 : i32
    %ne3A_14 = arith.cmpi ne, %rem3A, %ne3A_13 : i32
    %and3A = arith.andi %ne3A, %ne3A_14 : i1
    %sub3A = arith.constant 1 : i32
    %sub3A_15 = arith.subi %div3A, %sub3A : i32
    %select_n3A = arith.select %and3A, %sub3A_15, %div3A : i32
    %jit3A_16 = arith.constant 10 : i32
    %eq3A = arith.constant 0 : i32
    %eq3A_17 = arith.cmpi eq, %jit3A_16, %eq3A : i32
    %jit3A_18 = arith.constant 1 : i32
    %select_n3A_19 = arith.select %eq3A_17, %jit3A_18, %jit3A_16 : i32
    %rem3A_20 = arith.remsi %arg0, %select_n3A_19 : i32
    %ne3A_21 = arith.constant 0 : i32
    %ne3A_22 = arith.cmpi ne, %rem3A_20, %ne3A_21 : i32
    %lt3A = arith.constant 0 : i32
    %lt3A_23 = arith.cmpi slt, %rem3A_20, %lt3A : i32
    %lt3A_24 = arith.constant 0 : i32
    %lt3A_25 = arith.cmpi slt, %select_n3A_19, %lt3A_24 : i32
    %ne3A_26 = arith.xori %lt3A_23, %lt3A_25 : i1
    %and3A_27 = arith.andi %ne3A_26, %ne3A_22 : i1
    %add3A = arith.addi %rem3A_20, %select_n3A_19 : i32
    %select_n3A_28 = arith.select %and3A_27, %add3A, %rem3A_20 : i32
    %c0_i32 = arith.constant 0 : i32
    %c0_i32_29 = arith.constant 0 : i32
    return %select_n3A, %select_n3A_28, %c0_i32 : i32, i32, i32
  }
  func.func @transform_1(%arg0: i32) -> (i32, i32) {
    %c0_i32 = arith.constant 0 : i32
    %c0_i32_0 = arith.constant 0 : i32
    return %arg0, %c0_i32 : i32, i32
  }
  func.func @transform_2(%arg0: i32) -> (i32, i32) {
    %c0_i32 = arith.constant 0 : i32
    %c0_i32_0 = arith.constant 0 : i32
    return %arg0, %c0_i32 : i32, i32
  }
  func.func @transform_3(%arg0: i32) -> (i32, i32) {
    %c0_i32 = arith.constant 0 : i32
    %c0_i32_0 = arith.constant 0 : i32
    %c0_i32_1 = arith.constant 0 : i32
    return %c0_i32, %c0_i32_0 : i32, i32
  }
  func.func @transform_4(%arg0: i32) -> (i32, i32) {
    %c0_i32 = arith.constant 0 : i32
    %c0_i32_0 = arith.constant 0 : i32
    return %arg0, %c0_i32 : i32, i32
  }
}

</mosaic_0001>

<sc_bundles>
// kernel: kernel.6.cloned.1.call-start
scs
__scs_entry_jumppad:
0x0: {  	(pc) =	sbr.rel $0x88, $3  }
0x1: {  	(tag) =	ssettag $0x0;
	lr =	simm.s32 $0x1  }
0x2: {  	[smem:$0x3F9D] =	sst lr;
	_ =	strace $0xD0000000  }
0x3: {  	_ = 	snop  }
0x4: {  	_ = 	snop  }
0x5: {  	_ = 	snop  }
0x6: {  	_ = 	snop  }
0x7: {  	_ = 	snop  }
__scs_overlays_trampoline_lowered:
0x8: {  	[smem:$0x3FAC] =	sst s0  }
0x9: {  	[smem:$0x3FAD] =	sst s1  }
0xa: {  	[smem:$0x3FAE] =	sst s2  }
0xb: {  	[smem:$0x3FAF] =	sst s3  }
0xc: {  	[smem:$0x3FB0] =	sst s4  }
0xd: {  	[smem:$0x3FB1] =	sst s5  }
0xe: {  	[smem:$0x3FB2] =	sst s6  }
0xf: {  	[smem:$0x3FB3] =	sst s7  }
0x10: {  	[smem:$0x3FB4] =	sst s8  }
0x11: {  	[smem:$0x3FB5] =	sst s9;
	s0 =	simm.s32 @!p0 $0x0  }
0x12: {  	s1 =	sld [smem:$0x3F9B];
	s0 =	simm.s32 @p0 $0x1  }
0x13: {  	[smem:$0x3FB6] =	sst s0;
	s0 =	simm.s32 @!p1 $0x0  }
0x14: {  	s2 =	sld [smem:$0x3F9A];
	s0 =	simm.s32 @p1 $0x1  }
0x15: {  	[smem:$0x3FB7] =	sst s0;
	s0 =	simm.s32 @!p2 $0x0  }
0x16: {  	s3 =	sld [smem:$0x3FDB];
	s0 =	simm.s32 @p2 $0x1  }
0x17: {  	s4 =	simm.s32 $0x1BF5;
	[smem:$0x3FB9] =	sst s0  }
0x18: {  	s0 =	sld [smem:$0x3F9C];
	_ =	swait.ge [sflag:s4], $0x0  }
0x19: {  	s7 =	sld [smem:$0x3F9D]  }
0x1a: {  	s8 =	sadd.s32 $0xFFFFE003, lr  }
0x1b: {  	s9 =	sadd.s32 $0xFFFFFEF7, lr;
	s5 =	simm.s32 $0xFFFFFFFF;
	p2 =	slt.u32 s8, $0xFFFFF086  }
0x1c: {  	p1 =	slt.u32 s9, $0xF7A;
	s5 =	simm.s32 @!p2 $0x0  }
0x1d: {  	s5 =	simm.s32 @p1 $0x1;
	p0 =	seq.s32 s7, s2  }
0x1e: {  	s7 =	smul.u32 @!p0 $0xF7A, s2;
	p2 =	seq.s32 @!p0 s5, $0x0  }
0x1f: {  	s9 =	smul.u32 $0xF7A, s1;
	s8 =	simm.s32 @!p0 $0x1BF5;
	p2 =	por !p2, p0  }
0x20: {  	[sflag:s8] =	ssyncset.s32 @!p0 $0xFFFFF086;
	s6 =	sadd.s32 @!p0 s3, s7;
	s7 =	simm.s32 @!p0 $0x108  }
0x21: {  	s3 =	sadd.s32 s3, s9;
	s6 =	sadd.s32 @!p0 $0x88, s6;
	s7 =	simm.s32 @p2 $0x1082  }
0x22: {  	[simem:s7], [sflag:s8] =	dma.local @!p0 [hbm:s6], $0xF7A  }
0x23: {  	s9 =	sor.u32 $0xD0000000, s2;
	s6 =	simm.s32 $0x108;
	_ =	swait.ge @!p0 [sflag:s8], $0x0  }
0x24: {  	s3 =	sadd.s32 $0x88, s3;
	s6 =	simm.s32 @!p1 $0x1082;
	[sflag:s4] =	ssyncset.s32 $0xFFFFF086  }
0x25: {  	[simem:s6], [sflag:s4] =	dma.local [hbm:s3], $0xF7A  }
0x26: {  	[smem:$0x3F9D] =	sst s1;
	(tag) =	ssettag s2;
	_ =	strace s9  }
0x27: {  	s1 =	sld [smem:$0x3FAD]  }
0x28: {  	s2 =	sld [smem:$0x3FAE]  }
0x29: {  	s4 =	sld [smem:$0x3FB0]  }
0x2a: {  	p0 =	seq.s32 s5, $0x0;
	s5 =	sld [smem:$0x3FB1]  }
0x2b: {  	s6 =	sld [smem:$0x3FB2]  }
0x2c: {  	s7 =	sld [smem:$0x3FB3]  }
0x2d: {  	s3 =	simm.s32 $0x108;
	s8 =	sld [smem:$0x3FB4]  }
0x2e: {  	s3 =	simm.s32 @!p0 $0x1082;
	s9 =	sld [smem:$0x3FB5]  }
0x2f: {  	lr =	sadd.s32 s0, s3;
	s0 =	sld [smem:$0x3FAC]  }
0x30: {  	s3 =	sld [smem:$0x3FAF]  }
0x31: {  	[smem:$0x3FB8] =	sst s10  }
0x32: {  	s10 =	sld [smem:$0x3FB6];
	_ =	sdelay $0x3  }
0x33: {  	p0 =	seq.s32 s10, $0x1;
	s10 =	sld [smem:$0x3FB8];
	_ =	sdelay $0x3  }
0x34: {  	[smem:$0x3FB8] =	sst s10  }
0x35: {  	s10 =	sld [smem:$0x3FB7];
	_ =	sdelay $0x3  }
0x36: {  	p1 =	seq.s32 s10, $0x1;
	s10 =	sld [smem:$0x3FB8];
	_ =	sdelay $0x3  }
0x37: {  	[smem:$0x3FB8] =	sst s10  }
0x38: {  	s10 =	sld [smem:$0x3FB9]  }
0x39: {  	_ = 	snop;
	(pc) =	sbr.ind lr, $3  }
0x3a: {  	_ = 	snop  }
0x3b: {  	_ = 	snop  }
0x3c: {  	p2 =	seq.s32 s10, $0x1;
	s10 =	sld [smem:$0x3FB8]  }
0x3d: {  	_ =	shalt  }
0x3e: {  	_ =	shalt  }
0x3f: {  	_ =	shalt  }
0x40: {  	_ =	shalt  }
0x41: {  	_ =	shalt  }
0x42: {  	_ =	shalt  }
0x43: {  	_ =	shalt  }
0x44: {  	_ =	shalt  }
0x45: {  	_ =	shalt  }
0x46: {  	_ =	shalt  }
0x47: {  	_ =	shalt  }
0x48: {  	_ =	shalt  }
0x49: {  	_ =	shalt  }
0x4a: {  	_ =	shalt  }
0x4b: {  	_ =	shalt  }
0x4c: {  	_ =	shalt  }
0x4d: {  	_ =	shalt  }
0x4e: {  	_ =	shalt  }
0x4f: {  	_ =	shalt  }
0x50: {  	_ =	shalt  }
0x51: {  	_ =	shalt  }
0x52: {  	_ =	shalt  }
0x53: {  	_ =	shalt  }
0x54: {  	_ =	shalt  }
0x55: {  	_ =	shalt  }
0x56: {  	_ =	shalt  }
0x57: {  	_ =	shalt  }
0x58: {  	_ =	shalt  }
0x59: {  	_ =	shalt  }
0x5a: {  	_ =	shalt  }
0x5b: {  	_ =	shalt  }
0x5c: {  	_ =	shalt  }
0x5d: {  	_ =	shalt  }
0x5e: {  	_ =	shalt  }
0x5f: {  	_ =	shalt  }
0x60: {  	_ =	shalt  }
0x61: {  	_ =	shalt  }
0x62: {  	_ =	shalt  }
0x63: {  	_ =	shalt  }
0x64: {  	_ =	shalt  }
0x65: {  	_ =	shalt  }
0x66: {  	_ =	shalt  }
0x67: {  	_ =	shalt  }
0x68: {  	_ =	shalt  }
0x69: {  	_ =	shalt  }
0x6a: {  	_ =	shalt  }
0x6b: {  	_ =	shalt  }
0x6c: {  	_ =	shalt  }
0x6d: {  	_ =	shalt  }
0x6e: {  	_ =	shalt  }
0x6f: {  	_ =	shalt  }
0x70: {  	_ =	shalt  }
0x71: {  	_ =	shalt  }
0x72: {  	_ =	shalt  }
0x73: {  	_ =	shalt  }
0x74: {  	_ =	shalt  }
0x75: {  	_ =	shalt  }
0x76: {  	_ =	shalt  }
0x77: {  	_ =	shalt  }
0x78: {  	_ =	shalt  }
0x79: {  	_ =	shalt  }
0x7a: {  	_ =	shalt  }
0x7b: {  	_ =	shalt  }
0x7c: {  	_ =	shalt  }
0x7d: {  	_ =	shalt  }
0x7e: {  	_ =	shalt  }
0x7f: {  	_ =	shalt  }
0x80: {  	_ =	shalt  }
0x81: {  	_ =	shalt  }
0x82: {  	_ =	shalt  }
0x83: {  	_ =	shalt  }
0x84: {  	_ =	shalt  }
0x85: {  	_ =	shalt  }
0x86: {  	_ =	shalt  }
0x87: {  	_ =	shalt  }
.Lfunc_end0:
.L_simem_size_0:
called_computation_lowered:
.L_overlay_start_0:
0x88: {  	s2 =	sld [smem:$0x3FD9]  }
0x89: {  	s3 =	sld [smem:$0x3FFE];
	_ =	sdelay $0x1  }
0x8a: {  	s1 =	srdreg.scid  }
0x8b: {  	s0 =	sand.u32 $0x1, s1  }
0x8c: {  	s17 =	sshll.u32 s0, $0xA;
	s2 =	sadd.s32 s3, s2  }
0x8d: {  	s2 =	sadd.s32 s2, s17  }
0x8e: {  	[smem:$0x3FC4] =	sst s2  }
0x8f: {  	_ = 	snop  }
0x90: {  	s2 =	sld [smem:$0x3FD0];
	(tm) =	ssettm $0x1  }
0x91: {  	s18 =	sld [smem:$0x3FFB];
	_ =	sdelay $0x3  }
0x92: {  	_ =	strace s18  }
0x93: {  	s3 =	sld [smem:$0x3FFC];
	_ =	sdelay $0x3  }
0x94: {  	_ =	strace s3  }
0x95: {  	s3 =	sld [smem:$0x3FFD];
	_ =	sdelay $0x3  }
0x96: {  	_ =	strace s3  }
0x97: {  	_ =	strace $0x8FFFFFFF  }
0x98: {  	s19 =	sld [smem:$0x3FDB];
	_ =	sdelay $0x1  }
0x99: {  	s4 =	simm.s32 $_scs_section_size  }
0x9a: {  	s5 =	simm.s32 $_size__tile_overlayer_lowered;
	s6 =	simm.s32 $_tile_overlayer_lowered  }
0x9b: {  	s22 =	simm.s32 $0x1BFF;
	s21 =	sshll.u32 s6, $0x1;
	s3 =	sadd.s32 s4, s19  }
0x9c: {  	s7 =	simm.s32 $0x0;
	s20 =	sshll.u32 s5, $0x1;
	s5 =	sadd.s32 s21, s3  }
0x9d: {  	[timem:s7], [sflag:s22] =	dma.local [hbm:s5], s20  }
0x9e: {  	_ =	swait.ge [sflag:s22], s20  }
0x9f: {  	s4 =	ssub.s32 $0x0, s20;
	[sflag:s22] =	ssyncset.done $0x0  }
0xa0: {  	[sflag:s22] =	ssyncadd.s32 s4;
	_ =	sdelay $0x1  }
0xa1: {  	s23 =	simm.s32 $0x1B8B  }
0xa2: {  	_ =	swait.ge [sflag:s23], $0x1  }
0xa3: {  	[sflag:s23] =	ssyncset.done $0x0  }
0xa4: {  	s25 =	simm.s32 $0x1B8E;
	s24 =	sld [smem:$0x3FFE];
	[sflag:s23] =	ssyncadd.s32 $0xFFFFFFFF  }
0xa5: {  	s26 =	simm.s32 $execute0_lowered;
	[smem:$0x3FD2] =	sst s25  }
0xa6: {  	s5 =	sshll.u32 s26, $0x1;
	_ =	strace $0x80000046;
	[dreg:$0x1] =	wrdreg $0xFFFFFFFF  }
0xa7: {  	s28 =	simm.s32 $_size_execute0_lowered;
	s3 =	sadd.s32 s3, s5;
	[dreg:$0x0] =	wrdreg $0x0  }
0xa8: {  	s5 =	sshll.u32 s28, $0x1;
	[dreg:$0x2] =	wrdreg s3  }
0xa9: {  	[dreg:$0x3] =	wrdreg s5  }
0xaa: {  	[dreg:$0x4] =	wrdreg $0xC0  }
0xab: {  	_ =	task [dreg:s7], $0x5FFFF  }
0xac: {  	[dreg:$0x1] =	wrdreg $0xFFFFFFFF  }
0xad: {  	[dreg:$0x0] =	wrdreg $0x60  }
0xae: {  	[dreg:$0x2] =	wrdreg s2  }
0xaf: {  	[dreg:$0x3] =	wrdreg s24  }
0xb0: {  	[dreg:$0x4] =	wrdreg $0x30000  }
0xb1: {  	[dreg:$0x5] =	wrdreg $0x9  }
0xb2: {  	_ =	task.clear_ibuf [dreg:s7], $0x6FFFF;
	_ =	strace $0x90000046  }
0xb3: {  	s29 =	simm.s32 $0x9;
	_ =	strace $0x80000048  }
0xb4: {  	_ =	swait.ge [sflag:s29], $0x1  }
0xb5: {  	[sflag:s29] =	ssyncadd.s32 $0xFFFFFFFF  }
0xb6: {  	_ =	strace $0x90000048  }
0xb7: {  	_ =	sfence  }
0xb8: {  	s30 =	sld [smem:$0x0];
	_ =	sdelay $0x2  }
0xb9: {  	s31 =	sshll.u32 s1, $0xD;
	s1 =	sshrl.u32 s1, $0x2  }
0xba: {  	s3 =	sand.u32 $0x4000, s31;
	s1 =	sadd.s32 s1, s30  }
0xbb: {  	s0 =	sor.u32 s3, s0;
	s1 =	sshll.u32 s1, $0x11  }
0xbc: {  	s0 =	sor.u32 s1, s0  }
0xbd: {  	s0 =	sadd.s32 $0x8F2B, s0  }
0xbe: {  	[sflag:s0] =	ssyncadd.remote.s32 $0x1  }
0xbf: {  	_ =	sfence.sel $0xFFFF  }
0xc0: {  	[dreg:$0x0] =	wrdreg $0xFFFFFFFF;
	(pc) =	sbr.abs _section_cstart, $3  }
0xc1: {  	[dreg:$0x1] =	wrdreg $0xFFFFFFFF  }
0xc2: {  	_ =	task.clear_ibuf [dreg:s7], $0x2FFFF;
	_ =	strace $0x9FFFFFFF  }
0xc3: {  	(tm) =	ssettm $0x7FFFFFFF  }
tec
execute0_lowered:
.L_overlay_start_1:
0x0: {  	(tag) =	ssettag $0x1  }
0x1: {  	s6 =	rddreg [dreg:$0x0]  }
0x2: {  	s5 =	rddreg [dreg:$0x1];
	s0 =	srdreg.scid  }
0x3: {  	s2 =	rddreg [dreg:$0x2];
	s1 =	stileid.u32  }
0x4: {  	s3 =	simm.s32 $0x0;
	s11 =	simm.s32 $0x10;
	s12 =	simm.s32 $0x2800  }
0x5: {  	s7 =	sand.u32 $0x1, s0;
	s0 =	rddreg [dreg:$0x3];
	s9 =	smul.u32 $0x14000, s1  }
0x6: {  	s13 =	simm.s32 $0x0;
	[smem:$0x7FF] =	sst s3;
	s10 =	smul.u32 $0x50000, s1  }
0x7: {  	s4 =	sadd.s32 $0x1600, s5;
	s28 =	sshll.u32 s1, $0x1;
	s8 =	smul.u32 $0x140000, s7  }
0x8: {  	s31 =	sshll.u32 s1, $0x6;
	_ =	strace $0x80000047;
	s29 =	ssub.s32 $0x2, s7  }
0x9: {  	s7 =	sor.u32 s7, s28;
	s30 =	sshrl.u32 s29, $0x1;
	s8 =	sadd.s32 s9, s8  }
0xa: {  	s10 =	sshrl.u32 s10, $0x2;
	s7 =	smul.u32 $0x500, s7;
	s8 =	sshrl.u32 s8, $0x3  }
0xb: {  	s9 =	ssub.s32 s29, s30;
	s10 =	sadd.s32 s10, s2;
	s8 =	sadd.s32 s8, s5  }
0xc: {  	s6 =	sadd.s32 s6, s7;
	s5 =	sor.u32 $0x1C01, s31;
	s7 =	sadd.s32 $0x3E00, s8  }
0xd: {  	v0 =	vimm.f32 $1.000000000e+00;
	s8 =	smax.u32 s9, $0x1;
	s9 =	sshrl.u32 s10, $0x3;
	s10 =	simm.s32 $0x1  }
.LBB2_1:
0xe: {  	[tilespmem:$0x2800] =	vst v0  }
0xf: {  	[tilespmem:$0x2880] =	vst v0  }
0x10: {  	[tilespmem:$0x2900] =	vst v0  }
0x11: {  	[tilespmem:$0x2980] =	vst v0  }
0x12: {  	[tilespmem:$0x2A00] =	vst v0  }
0x13: {  	[tilespmem:$0x2A80] =	vst v0  }
0x14: {  	[tilespmem:$0x2B00] =	vst v0  }
0x15: {  	[tilespmem:$0x2B80] =	vst v0  }
0x16: {  	[tilespmem:$0x2C00] =	vst v0  }
0x17: {  	[tilespmem:$0x2C80] =	vst v0  }
0x18: {  	[tilespmem:$0x2D00] =	vst v0  }
0x19: {  	[tilespmem:$0x2D80] =	vst v0  }
0x1a: {  	[tilespmem:$0x2E00] =	vst v0  }
0x1b: {  	[tilespmem:$0x2E80] =	vst v0  }
0x1c: {  	[tilespmem:$0x2F00] =	vst v0  }
0x1d: {  	[tilespmem:$0x2F80] =	vst v0  }
0x1e: {  	[spmem:s9], [sflag:s5] =	dma.local [hbm:s4], $0x2800  }
0x1f: {  	_ =	swait.ge [sflag:s10], $0x2800  }
0x20: {  	[sflag:s10] =	ssyncset.done $0x0  }
0x21: {  	[sflag:s10] =	ssyncadd.s32 $0xFFFFD800  }
0x22: {  	[tilespmem:s3], [sflag:$0x1] =	stream.linear.gather [hbm4b:s6+s3], $0x2780, $0x38;
	[tilespmem:$0x5800] =	vst v63  }
0x23: {  	_ =	swait.ge [sflag:s10], $0x2780  }
0x24: {  	[sflag:s10] =	ssyncset.done $0x0  }
0x25: {  	s14 =	simm.s32 $0x70;
	[sflag:s10] =	ssyncadd.s32 $0xFFFFD880  }
0x26: {  	v3 =	vld [tilespmem:s14+$0xFFFFFF90]  }
0x27: {  	v5 =	vld [tilespmem:s14+$0xFFFFFFA0]  }
0x28: {  	v4 =	vld [tilespmem:s14+$0xFFFFFFB0]  }
0x29: {  	v2 =	vld [tilespmem:s14+$0xFFFFFFC0]  }
0x2a: {  	v1 =	vld [tilespmem:s14+$0xFFFFFFD0]  }
0x2b: {  	s15 =	simm.s32 $0x3C0;
	v6 =	vshrl.u32 v3, $0xE;
	v3 =	vld [tilespmem:s14+$0xFFFFFFE0]  }
.LBB2_2:
0x2c: {  	p0 =	sne.s32 s15, $0x9DC0;
	[tilespmem:s14+$0xFFFFFF90] =	vst v6;
	v5 =	vshrl.u32 v5, $0xE;
	v6 =	vld [tilespmem:s14+$0x0]  }
0x2d: {  	s16 =	sshra.s32 s15, $0x2;
	[tilespmem:s14+$0xFFFFFFA0] =	vst v5;
	v4 =	vshrl.u32 v4, $0xE;
	v7 =	vld [tilespmem:s14+$0xFFFFFFF0]  }
0x2e: {  	v8 =	vld [tilespmem:s16+$0xFFFFFF90];
	[tilespmem:s14+$0xFFFFFFB0] =	vst v4;
	v2 =	vshrl.u32 v2, $0xE  }
.Ltmp0:
0x2f: {  	v5 =	vld [tilespmem:s16+$0xFFFFFFA0];
	[tilespmem:s14+$0xFFFFFFC0] =	vst v2;
	v1 =	vshrl.u32 v1, $0xE;
	(pc) =	sbr.rel @p0 .LBB2_2-.Ltmp0, $4  }
0x30: {  	v4 =	vld [tilespmem:s16+$0xFFFFFFB0];
	[tilespmem:s14+$0xFFFFFFD0] =	vst v1;
	v1 =	vshrl.u32 v3, $0xE  }
0x31: {  	v2 =	vld [tilespmem:s16+$0xFFFFFFC0];
	[tilespmem:s14+$0xFFFFFFE0] =	vst v1;
	v3 =	vshrl.u32 v6, $0xE  }
0x32: {  	v1 =	vld [tilespmem:s16+$0xFFFFFFD0];
	v7 =	vshrl.u32 v7, $0xE;
	[tilespmem:s14+$0x0] =	vst v3  }
0x33: {  	s15 =	sadd.s32 $0x200, s15;
	v6 =	vshrl.u32 v8, $0xE;
	v3 =	vld [tilespmem:s16+$0xFFFFFFE0];
	[tilespmem:s14+$0xFFFFFFF0] =	vst v7;
	s14 =	smov.u32 s16  }
0x34: {  	[tilespmem:s14+$0xFFFFFF90] =	vst v6;
	v5 =	vshrl.u32 v5, $0xE;
	v62 =	vld [tilespmem:s14+$0x0]  }
0x35: {  	v63 =	vld [tilespmem:s14+$0xFFFFFFF0];
	[tilespmem:s14+$0xFFFFFFA0] =	vst v5;
	v4 =	vshrl.u32 v4, $0xE  }
0x36: {  	[tilespmem:s14+$0xFFFFFFB0] =	vst v4;
	v2 =	vshrl.u32 v2, $0xE  }
0x37: {  	[tilespmem:s14+$0xFFFFFFC0] =	vst v2;
	v1 =	vshrl.u32 v1, $0xE  }
0x38: {  	[tilespmem:s14+$0xFFFFFFD0] =	vst v1;
	v1 =	vshrl.u32 v3, $0xE  }
0x39: {  	[tilespmem:s14+$0xFFFFFFE0] =	vst v1;
	v1 =	vshrl.u32 v62, $0xE  }
0x3a: {  	v2 =	vshrl.u32 v63, $0xE;
	[tilespmem:s14+$0x0] =	vst v1  }
0x3b: {  	[tilespmem:s14+$0xFFFFFFF0] =	vst v2  }
0x3c: {  	s23 =	simm.s32 $0x0;
	[bflag:$0x0] =	sbarrier.arrive $0xFFFF  }
0x3d: {  	[spmem:s2] =	stream.indirect.scatter.add.f32 [tilespmem:s12], [sflag:$0x1], $0x10, s23, s11, $0xb8;
	[tilespmem:$0x5800] =	vst v63  }
0x3e: {  	_ =	swait.ge [sflag:s10], $0x100  }
0x3f: {  	[sflag:s10] =	ssyncset.done $0x0  }
0x40: {  	s24 =	simm.s32 $0x10;
	[sflag:s10] =	ssyncadd.s32 $0xFFFFFF00  }
0x41: {  	[spmem:s2] =	stream.indirect.scatter.add.f32 [tilespmem:s12], [sflag:$0x1], $0x10, s24, s11, $0xb8;
	[tilespmem:$0x5800] =	vst v63  }
0x42: {  	_ =	swait.ge [sflag:s10], $0x100  }
0x43: {  	[sflag:s10] =	ssyncset.done $0x0  }
0x44: {  	s25 =	simm.s32 $0x20;
	[sflag:s10] =	ssyncadd.s32 $0xFFFFFF00  }
0x45: {  	[spmem:s2] =	stream.indirect.scatter.add.f32 [tilespmem:s12], [sflag:$0x1], $0x10, s25, s11, $0xb8;
	[tilespmem:$0x5800] =	vst v63  }
0x46: {  	_ =	swait.ge [sflag:s10], $0x100  }
0x47: {  	[sflag:s10] =	ssyncset.done $0x0  }
0x48: {  	s26 =	simm.s32 $0x30;
	[sflag:s10] =	ssyncadd.s32 $0xFFFFFF00  }
0x49: {  	[spmem:s2] =	stream.indirect.scatter.add.f32 [tilespmem:s12], [sflag:$0x1], $0x10, s26, s11, $0xb8;
	[tilespmem:$0x5800] =	vst v63  }
0x4a: {  	_ =	swait.ge [sflag:s10], $0x100  }
0x4b: {  	[sflag:s10] =	ssyncset.done $0x0  }
0x4c: {  	s28 =	simm.s32 $0x40;
	[sflag:s10] =	ssyncadd.s32 $0xFFFFFF00  }
0x4d: {  	[spmem:s2] =	stream.indirect.scatter.add.f32 [tilespmem:s12], [sflag:$0x1], $0x10, s28, s11, $0xb8;
	[tilespmem:$0x5800] =	vst v63  }
0x4e: {  	_ =	swait.ge [sflag:s10], $0x100  }
0x4f: {  	[sflag:s10] =	ssyncset.done $0x0  }
0x50: {  	s29 =	simm.s32 $0x50;
	[sflag:s10] =	ssyncadd.s32 $0xFFFFFF00  }
0x51: {  	[spmem:s2] =	stream.indirect.scatter.add.f32 [tilespmem:s12], [sflag:$0x1], $0x10, s29, s11, $0xb8;
	[tilespmem:$0x5800] =	vst v63  }
0x52: {  	_ =	swait.ge [sflag:s10], $0x100  }
0x53: {  	[sflag:s10] =	ssyncset.done $0x0  }
0x54: {  	s30 =	simm.s32 $0x60;
	[sflag:s10] =	ssyncadd.s32 $0xFFFFFF00  }
0x55: {  	[spmem:s2] =	stream.indirect.scatter.add.f32 [tilespmem:s12], [sflag:$0x1], $0x10, s30, s11, $0xb8;
	[tilespmem:$0x5800] =	vst v63  }
0x56: {  	_ =	swait.ge [sflag:s10], $0x100  }
0x57: {  	[sflag:s10] =	ssyncset.done $0x0  }
0x58: {  	s31 =	simm.s32 $0x70;
	[sflag:s10] =	ssyncadd.s32 $0xFFFFFF00  }
0x59: {  	[spmem:s2] =	stream.indirect.scatter.add.f32 [tilespmem:s12], [sflag:$0x1], $0x10, s31, s11, $0xb8;
	[tilespmem:$0x5800] =	vst v63  }
0x5a: {  	_ =	swait.ge [sflag:s10], $0x100  }
0x5b: {  	s17 =	simm.s32 $0x400;
	s14 =	simm.s32 $0x200;
	[sflag:s10] =	ssyncset.done $0x0  }
.LBB2_4:
0x5c: {  	s16 =	sshra.s32 s14, $0x2  }
0x5d: {  	[sflag:s10] =	ssyncadd.s32 $0xFFFFFF00;
	s14 =	smov.u32 s17;
	s15 =	sadd.s32 $0x200, s17  }
0x5e: {  	[spmem:s2] =	stream.indirect.scatter.add.f32 [tilespmem:s12], [sflag:$0x1], $0x10, s16, s11, $0xb8;
	[tilespmem:$0x5800] =	vst v63  }
0x5f: {  	p0 =	sne.s32 s17, $0x9C00;
	_ =	swait.ge [sflag:s10], $0x100  }
0x60: {  	[sflag:s10] =	ssyncset.done $0x0  }
0x61: {  	s17 =	sadd.s32 $0x10, s16;
	[sflag:s10] =	ssyncadd.s32 $0xFFFFFF00  }
0x62: {  	[spmem:s2] =	stream.indirect.scatter.add.f32 [tilespmem:s12], [sflag:$0x1], $0x10, s17, s11, $0xb8;
	[tilespmem:$0x5800] =	vst v63  }
0x63: {  	_ =	swait.ge [sflag:s10], $0x100  }
0x64: {  	[sflag:s10] =	ssyncset.done $0x0  }
0x65: {  	s17 =	sadd.s32 $0x20, s16;
	[sflag:s10] =	ssyncadd.s32 $0xFFFFFF00  }
0x66: {  	[spmem:s2] =	stream.indirect.scatter.add.f32 [tilespmem:s12], [sflag:$0x1], $0x10, s17, s11, $0xb8;
	[tilespmem:$0x5800] =	vst v63  }
0x67: {  	_ =	swait.ge [sflag:s10], $0x100  }
0x68: {  	[sflag:s10] =	ssyncset.done $0x0  }
0x69: {  	s17 =	sadd.s32 $0x30, s16;
	[sflag:s10] =	ssyncadd.s32 $0xFFFFFF00  }
0x6a: {  	[spmem:s2] =	stream.indirect.scatter.add.f32 [tilespmem:s12], [sflag:$0x1], $0x10, s17, s11, $0xb8;
	[tilespmem:$0x5800] =	vst v63  }
0x6b: {  	_ =	swait.ge [sflag:s10], $0x100  }
0x6c: {  	[sflag:s10] =	ssyncset.done $0x0  }
0x6d: {  	s17 =	sadd.s32 $0x40, s16;
	[sflag:s10] =	ssyncadd.s32 $0xFFFFFF00  }
0x6e: {  	[spmem:s2] =	stream.indirect.scatter.add.f32 [tilespmem:s12], [sflag:$0x1], $0x10, s17, s11, $0xb8;
	[tilespmem:$0x5800] =	vst v63  }
0x6f: {  	_ =	swait.ge [sflag:s10], $0x100  }
0x70: {  	[sflag:s10] =	ssyncset.done $0x0  }
0x71: {  	s17 =	sadd.s32 $0x50, s16;
	[sflag:s10] =	ssyncadd.s32 $0xFFFFFF00  }
0x72: {  	[spmem:s2] =	stream.indirect.scatter.add.f32 [tilespmem:s12], [sflag:$0x1], $0x10, s17, s11, $0xb8;
	[tilespmem:$0x5800] =	vst v63  }
0x73: {  	_ =	swait.ge [sflag:s10], $0x100  }
0x74: {  	[sflag:s10] =	ssyncset.done $0x0  }
0x75: {  	s17 =	sadd.s32 $0x60, s16;
	[sflag:s10] =	ssyncadd.s32 $0xFFFFFF00  }
0x76: {  	[spmem:s2] =	stream.indirect.scatter.add.f32 [tilespmem:s12], [sflag:$0x1], $0x10, s17, s11, $0xb8;
	[tilespmem:$0x5800] =	vst v63  }
0x77: {  	_ =	swait.ge [sflag:s10], $0x100  }
.Ltmp1:
0x78: {  	[sflag:s10] =	ssyncset.done $0x0;
	(pc) =	sbr.rel @p0 .LBB2_4-.Ltmp1, $4  }
0x79: {  	s16 =	sadd.s32 $0x70, s16;
	[sflag:s10] =	ssyncadd.s32 $0xFFFFFF00  }
0x7a: {  	[spmem:s2] =	stream.indirect.scatter.add.f32 [tilespmem:s12], [sflag:$0x1], $0x10, s16, s11, $0xb8;
	[tilespmem:$0x5800] =	vst v63  }
0x7b: {  	_ =	swait.ge [sflag:s10], $0x100  }
0x7c: {  	s17 =	smov.u32 s15;
	[sflag:s10] =	ssyncset.done $0x0  }
0x7d: {  	s14 =	sshra.s32 s14, $0x2;
	[sflag:s10] =	ssyncadd.s32 $0xFFFFFF00  }
0x7e: {  	[spmem:s2] =	stream.indirect.scatter.add.f32 [tilespmem:s12], [sflag:$0x1], $0x10, s14, s11, $0xb8;
	[tilespmem:$0x5800] =	vst v63  }
0x7f: {  	_ =	swait.ge [sflag:s10], $0x100  }
0x80: {  	[sflag:s10] =	ssyncset.done $0x0  }
0x81: {  	s15 =	sadd.s32 $0x10, s14;
	[sflag:s10] =	ssyncadd.s32 $0xFFFFFF00  }
0x82: {  	[spmem:s2] =	stream.indirect.scatter.add.f32 [tilespmem:s12], [sflag:$0x1], $0x10, s15, s11, $0xb8;
	[tilespmem:$0x5800] =	vst v63  }
0x83: {  	_ =	swait.ge [sflag:s10], $0x100  }
0x84: {  	[sflag:s10] =	ssyncset.done $0x0  }
0x85: {  	s26 =	sadd.s32 $0x20, s14;
	[sflag:s10] =	ssyncadd.s32 $0xFFFFFF00  }
0x86: {  	[spmem:s2] =	stream.indirect.scatter.add.f32 [tilespmem:s12], [sflag:$0x1], $0x10, s26, s11, $0xb8;
	[tilespmem:$0x5800] =	vst v63  }
0x87: {  	_ =	swait.ge [sflag:s10], $0x100  }
0x88: {  	[sflag:s10] =	ssyncset.done $0x0  }
0x89: {  	s28 =	sadd.s32 $0x30, s14;
	[sflag:s10] =	ssyncadd.s32 $0xFFFFFF00  }
0x8a: {  	[spmem:s2] =	stream.indirect.scatter.add.f32 [tilespmem:s12], [sflag:$0x1], $0x10, s28, s11, $0xb8;
	[tilespmem:$0x5800] =	vst v63  }
0x8b: {  	_ =	swait.ge [sflag:s10], $0x100  }
0x8c: {  	[sflag:s10] =	ssyncset.done $0x0  }
0x8d: {  	s29 =	sadd.s32 $0x40, s14;
	[sflag:s10] =	ssyncadd.s32 $0xFFFFFF00  }
0x8e: {  	[spmem:s2] =	stream.indirect.scatter.add.f32 [tilespmem:s12], [sflag:$0x1], $0x10, s29, s11, $0xb8;
	[tilespmem:$0x5800] =	vst v63  }
0x8f: {  	_ =	swait.ge [sflag:s10], $0x100  }
0x90: {  	[sflag:s10] =	ssyncset.done $0x0  }
0x91: {  	s30 =	sadd.s32 $0x50, s14;
	[sflag:s10] =	ssyncadd.s32 $0xFFFFFF00  }
0x92: {  	[spmem:s2] =	stream.indirect.scatter.add.f32 [tilespmem:s12], [sflag:$0x1], $0x10, s30, s11, $0xb8;
	[tilespmem:$0x5800] =	vst v63  }
0x93: {  	_ =	swait.ge [sflag:s10], $0x100  }
0x94: {  	[sflag:s10] =	ssyncset.done $0x0  }
0x95: {  	s31 =	sadd.s32 $0x60, s14;
	[sflag:s10] =	ssyncadd.s32 $0xFFFFFF00  }
0x96: {  	[spmem:s2] =	stream.indirect.scatter.add.f32 [tilespmem:s12], [sflag:$0x1], $0x10, s31, s11, $0xb8;
	[tilespmem:$0x5800] =	vst v63  }
0x97: {  	_ =	swait.ge [sflag:s10], $0x100  }
0x98: {  	[sflag:s10] =	ssyncset.done $0x0  }
0x99: {  	s14 =	sadd.s32 $0x70, s14;
	[sflag:s10] =	ssyncadd.s32 $0xFFFFFF00  }
0x9a: {  	[spmem:s2] =	stream.indirect.scatter.add.f32 [tilespmem:s12], [sflag:$0x1], $0x10, s14, s11, $0xb8;
	[tilespmem:$0x5800] =	vst v63  }
0x9b: {  	_ =	swait.ge [sflag:s10], $0x100  }
0x9c: {  	s13 =	sadd.s32 $0x1, s13;
	[sflag:s10] =	ssyncset.done $0x0  }
0x9d: {  	p0 =	sne.s32 s13, s8;
	[sflag:s10] =	ssyncadd.s32 $0xFFFFFF00  }
.Ltmp2:
0x9e: {  	[bflag:$0x0] =	sbarrier.arrive $0xFFFF;
	(pc) =	sbr.rel @p0 .LBB2_1-.Ltmp2, $4  }
0x9f: {  	[hbm:s7], [sflag:s5] =	dma.local [spmem:s9], $0x2800  }
0xa0: {  	_ =	swait.ge [sflag:s10], $0x2800  }
0xa1: {  	[sflag:s10] =	ssyncset.done $0x0  }
0xa2: {  	[sflag:s10] =	ssyncadd.s32 $0xFFFFD800  }
0xa3: {  	_ =	sfence.sel $0x180000  }
0xa4: {  	[bflag:$0x0] =	sbarrier.arrive $0xFFFF  }
0xa5: {  	p0 =	sne.s32 s1, $0x0;
	_ =	strace $0x90000047  }
0xa6: {  	s0 =	sadd.s32 @!p0 $0x100000, s0;
	[bflag:$0x2] =	sbarrier.arrive $0xFFFF  }
0xa7: {  	[sflag:s0] =	ssyncadd.tile.s32 @!p0 $0x1;
	_ =	shalt  }
.Lfunc_end2:
_tile_overlayer_lowered:
.L_overlay_start_2:
0xa8: {  	(tag) =	ssettag $0x2  }
0xa9: {  	s0 =	rddreg [dreg:$0x0];
	s2 =	stileid.u32  }
0xaa: {  	s1 =	rddreg [dreg:$0x1];
	p0 =	sne.s32 s2, $0x0  }
0xab: {  	s3 =	rddreg [dreg:$0x2];
	[bflag:$0x3] =	sbarrier.arrive $0xFFFF;
	s2 =	simm.s32 @!p0 $0x1C01  }
0xac: {  	[timem:s3], [sflag:s2] =	dma.local @!p0 [hbm:s0], s1  }
0xad: {  	s0 =	simm.s32 @!p0 $0x1  }
0xae: {  	_ =	swait.ge @!p0 [sflag:s0], s1  }
0xaf: {  	s1 =	ssub.s32 @!p0 $0x0, s1;
	[sflag:s0] =	ssyncset.done @!p0 $0x0  }
0xb0: {  	[sflag:s0] =	ssyncadd.s32 @!p0 s1  }
0xb1: {  	[bflag:$0x3] =	sbarrier.arrive $0xFFFF  }
0xb2: {  	_ =	shalt  }

// kernel: kernel.9.cloned.1.call-start
scs
__scs_entry_jumppad:
0x0: {  	(pc) =	sbr.rel $0x88, $3  }
0x1: {  	(tag) =	ssettag $0x0;
	lr =	simm.s32 $0x1  }
0x2: {  	[smem:$0x3F9D] =	sst lr;
	_ =	strace $0xD0000000  }
0x3: {  	_ = 	snop  }
0x4: {  	_ = 	snop  }
0x5: {  	_ = 	snop  }
0x6: {  	_ = 	snop  }
0x7: {  	_ = 	snop  }
__scs_overlays_trampoline_lowered:
0x8: {  	[smem:$0x3FAC] =	sst s0  }
0x9: {  	[smem:$0x3FAD] =	sst s1  }
0xa: {  	[smem:$0x3FAE] =	sst s2  }
0xb: {  	[smem:$0x3FAF] =	sst s3  }
0xc: {  	[smem:$0x3FB0] =	sst s4  }
0xd: {  	[smem:$0x3FB1] =	sst s5  }
0xe: {  	[smem:$0x3FB2] =	sst s6  }
0xf: {  	[smem:$0x3FB3] =	sst s7  }
0x10: {  	[smem:$0x3FB4] =	sst s8  }
0x11: {  	[smem:$0x3FB5] =	sst s9;
	s0 =	simm.s32 @!p0 $0x0  }
0x12: {  	s1 =	sld [smem:$0x3F9B];
	s0 =	simm.s32 @p0 $0x1  }
0x13: {  	[smem:$0x3FB6] =	sst s0;
	s0 =	simm.s32 @!p1 $0x0  }
0x14: {  	s2 =	sld [smem:$0x3F9A];
	s0 =	simm.s32 @p1 $0x1  }
0x15: {  	[smem:$0x3FB7] =	sst s0;
	s0 =	simm.s32 @!p2 $0x0  }
0x16: {  	s3 =	sld [smem:$0x3FDB];
	s0 =	simm.s32 @p2 $0x1  }
0x17: {  	s4 =	simm.s32 $0x1BF5;
	[smem:$0x3FB9] =	sst s0  }
0x18: {  	s0 =	sld [smem:$0x3F9C];
	_ =	swait.ge [sflag:s4], $0x0  }
0x19: {  	s7 =	sld [smem:$0x3F9D]  }
0x1a: {  	s8 =	sadd.s32 $0xFFFFE003, lr  }
0x1b: {  	s9 =	sadd.s32 $0xFFFFFEF7, lr;
	s5 =	simm.s32 $0xFFFFFFFF;
	p2 =	slt.u32 s8, $0xFFFFF086  }
0x1c: {  	p1 =	slt.u32 s9, $0xF7A;
	s5 =	simm.s32 @!p2 $0x0  }
0x1d: {  	s5 =	simm.s32 @p1 $0x1;
	p0 =	seq.s32 s7, s2  }
0x1e: {  	s7 =	smul.u32 @!p0 $0xF7A, s2;
	p2 =	seq.s32 @!p0 s5, $0x0  }
0x1f: {  	s9 =	smul.u32 $0xF7A, s1;
	s8 =	simm.s32 @!p0 $0x1BF5;
	p2 =	por !p2, p0  }
0x20: {  	[sflag:s8] =	ssyncset.s32 @!p0 $0xFFFFF086;
	s6 =	sadd.s32 @!p0 s3, s7;
	s7 =	simm.s32 @!p0 $0x108  }
0x21: {  	s3 =	sadd.s32 s3, s9;
	s6 =	sadd.s32 @!p0 $0x88, s6;
	s7 =	simm.s32 @p2 $0x1082  }
0x22: {  	[simem:s7], [sflag:s8] =	dma.local @!p0 [hbm:s6], $0xF7A  }
0x23: {  	s9 =	sor.u32 $0xD0000000, s2;
	s6 =	simm.s32 $0x108;
	_ =	swait.ge @!p0 [sflag:s8], $0x0  }
0x24: {  	s3 =	sadd.s32 $0x88, s3;
	s6 =	simm.s32 @!p1 $0x1082;
	[sflag:s4] =	ssyncset.s32 $0xFFFFF086  }
0x25: {  	[simem:s6], [sflag:s4] =	dma.local [hbm:s3], $0xF7A  }
0x26: {  	[smem:$0x3F9D] =	sst s1;
	(tag) =	ssettag s2;
	_ =	strace s9  }
0x27: {  	s1 =	sld [smem:$0x3FAD]  }
0x28: {  	s2 =	sld [smem:$0x3FAE]  }
0x29: {  	s4 =	sld [smem:$0x3FB0]  }
0x2a: {  	p0 =	seq.s32 s5, $0x0;
	s5 =	sld [smem:$0x3FB1]  }
0x2b: {  	s6 =	sld [smem:$0x3FB2]  }
0x2c: {  	s7 =	sld [smem:$0x3FB3]  }
0x2d: {  	s3 =	simm.s32 $0x108;
	s8 =	sld [smem:$0x3FB4]  }
0x2e: {  	s3 =	simm.s32 @!p0 $0x1082;
	s9 =	sld [smem:$0x3FB5]  }
0x2f: {  	lr =	sadd.s32 s0, s3;
	s0 =	sld [smem:$0x3FAC]  }
0x30: {  	s3 =	sld [smem:$0x3FAF]  }
0x31: {  	[smem:$0x3FB8] =	sst s10  }
0x32: {  	s10 =	sld [smem:$0x3FB6];
	_ =	sdelay $0x3  }
0x33: {  	p0 =	seq.s32 s10, $0x1;
	s10 =	sld [smem:$0x3FB8];
	_ =	sdelay $0x3  }
0x34: {  	[smem:$0x3FB8] =	sst s10  }
0x35: {  	s10 =	sld [smem:$0x3FB7];
	_ =	sdelay $0x3  }
0x36: {  	p1 =	seq.s32 s10, $0x1;
	s10 =	sld [smem:$0x3FB8];
	_ =	sdelay $0x3  }
0x37: {  	[smem:$0x3FB8] =	sst s10  }
0x38: {  	s10 =	sld [smem:$0x3FB9]  }
0x39: {  	_ = 	snop;
	(pc) =	sbr.ind lr, $3  }
0x3a: {  	_ = 	snop  }
0x3b: {  	_ = 	snop  }
0x3c: {  	p2 =	seq.s32 s10, $0x1;
	s10 =	sld [smem:$0x3FB8]  }
0x3d: {  	_ =	shalt  }
0x3e: {  	_ =	shalt  }
0x3f: {  	_ =	shalt  }
0x40: {  	_ =	shalt  }
0x41: {  	_ =	shalt  }
0x42: {  	_ =	shalt  }
0x43: {  	_ =	shalt  }
0x44: {  	_ =	shalt  }
0x45: {  	_ =	shalt  }
0x46: {  	_ =	shalt  }
0x47: {  	_ =	shalt  }
0x48: {  	_ =	shalt  }
0x49: {  	_ =	shalt  }
0x4a: {  	_ =	shalt  }
0x4b: {  	_ =	shalt  }
0x4c: {  	_ =	shalt  }
0x4d: {  	_ =	shalt  }
0x4e: {  	_ =	shalt  }
0x4f: {  	_ =	shalt  }
0x50: {  	_ =	shalt  }
0x51: {  	_ =	shalt  }
0x52: {  	_ =	shalt  }
0x53: {  	_ =	shalt  }
0x54: {  	_ =	shalt  }
0x55: {  	_ =	shalt  }
0x56: {  	_ =	shalt  }
0x57: {  	_ =	shalt  }
0x58: {  	_ =	shalt  }
0x59: {  	_ =	shalt  }
0x5a: {  	_ =	shalt  }
0x5b: {  	_ =	shalt  }
0x5c: {  	_ =	shalt  }
0x5d: {  	_ =	shalt  }
0x5e: {  	_ =	shalt  }
0x5f: {  	_ =	shalt  }
0x60: {  	_ =	shalt  }
0x61: {  	_ =	shalt  }
0x62: {  	_ =	shalt  }
0x63: {  	_ =	shalt  }
0x64: {  	_ =	shalt  }
0x65: {  	_ =	shalt  }
0x66: {  	_ =	shalt  }
0x67: {  	_ =	shalt  }
0x68: {  	_ =	shalt  }
0x69: {  	_ =	shalt  }
0x6a: {  	_ =	shalt  }
0x6b: {  	_ =	shalt  }
0x6c: {  	_ =	shalt  }
0x6d: {  	_ =	shalt  }
0x6e: {  	_ =	shalt  }
0x6f: {  	_ =	shalt  }
0x70: {  	_ =	shalt  }
0x71: {  	_ =	shalt  }
0x72: {  	_ =	shalt  }
0x73: {  	_ =	shalt  }
0x74: {  	_ =	shalt  }
0x75: {  	_ =	shalt  }
0x76: {  	_ =	shalt  }
0x77: {  	_ =	shalt  }
0x78: {  	_ =	shalt  }
0x79: {  	_ =	shalt  }
0x7a: {  	_ =	shalt  }
0x7b: {  	_ =	shalt  }
0x7c: {  	_ =	shalt  }
0x7d: {  	_ =	shalt  }
0x7e: {  	_ =	shalt  }
0x7f: {  	_ =	shalt  }
0x80: {  	_ =	shalt  }
0x81: {  	_ =	shalt  }
0x82: {  	_ =	shalt  }
0x83: {  	_ =	shalt  }
0x84: {  	_ =	shalt  }
0x85: {  	_ =	shalt  }
0x86: {  	_ =	shalt  }
0x87: {  	_ =	shalt  }
.Lfunc_end0:
.L_simem_size_0:
called_computation.1_lowered:
.L_overlay_start_0:
0x88: {  	s2 =	sld [smem:$0x3FD9]  }
0x89: {  	s3 =	sld [smem:$0x3FFE];
	_ =	sdelay $0x1  }
0x8a: {  	s1 =	srdreg.scid  }
0x8b: {  	s0 =	sand.u32 $0x1, s1  }
0x8c: {  	s17 =	sshll.u32 s0, $0xA;
	s2 =	sadd.s32 s3, s2  }
0x8d: {  	s2 =	sadd.s32 s2, s17  }
0x8e: {  	[smem:$0x3FC4] =	sst s2  }
0x8f: {  	_ = 	snop  }
0x90: {  	s2 =	sld [smem:$0x3FD0];
	(tm) =	ssettm $0x1  }
0x91: {  	s18 =	sld [smem:$0x3FFB];
	_ =	sdelay $0x3  }
0x92: {  	_ =	strace s18  }
0x93: {  	s3 =	sld [smem:$0x3FFC];
	_ =	sdelay $0x3  }
0x94: {  	_ =	strace s3  }
0x95: {  	s3 =	sld [smem:$0x3FFD];
	_ =	sdelay $0x3  }
0x96: {  	_ =	strace s3  }
0x97: {  	_ =	strace $0x8FFFFFFF  }
0x98: {  	s19 =	sld [smem:$0x3FDB];
	_ =	sdelay $0x1  }
0x99: {  	s4 =	simm.s32 $_scs_section_size  }
0x9a: {  	s5 =	simm.s32 $_size__tile_overlayer_lowered;
	s6 =	simm.s32 $_tile_overlayer_lowered  }
0x9b: {  	s22 =	simm.s32 $0x1BFF;
	s21 =	sshll.u32 s6, $0x1;
	s3 =	sadd.s32 s4, s19  }
0x9c: {  	s7 =	simm.s32 $0x0;
	s20 =	sshll.u32 s5, $0x1;
	s5 =	sadd.s32 s21, s3  }
0x9d: {  	[timem:s7], [sflag:s22] =	dma.local [hbm:s5], s20  }
0x9e: {  	_ =	swait.ge [sflag:s22], s20  }
0x9f: {  	s4 =	ssub.s32 $0x0, s20;
	[sflag:s22] =	ssyncset.done $0x0  }
0xa0: {  	[sflag:s22] =	ssyncadd.s32 s4;
	_ =	sdelay $0x1  }
0xa1: {  	s23 =	simm.s32 $0x1B8B  }
0xa2: {  	_ =	swait.ge [sflag:s23], $0x1  }
0xa3: {  	[sflag:s23] =	ssyncset.done $0x0  }
0xa4: {  	s25 =	simm.s32 $0x1B8E;
	s24 =	sld [smem:$0x3FFE];
	[sflag:s23] =	ssyncadd.s32 $0xFFFFFFFF  }
0xa5: {  	s26 =	simm.s32 $execute0_lowered;
	[smem:$0x3FD2] =	sst s25  }
0xa6: {  	s5 =	sshll.u32 s26, $0x1;
	_ =	strace $0x80000049;
	[dreg:$0x1] =	wrdreg $0xFFFFFFFF  }
0xa7: {  	s28 =	simm.s32 $_size_execute0_lowered;
	s3 =	sadd.s32 s3, s5;
	[dreg:$0x0] =	wrdreg $0x0  }
0xa8: {  	s5 =	sshll.u32 s28, $0x1;
	[dreg:$0x2] =	wrdreg s3  }
0xa9: {  	[dreg:$0x3] =	wrdreg s5  }
0xaa: {  	[dreg:$0x4] =	wrdreg $0xC0  }
0xab: {  	_ =	task [dreg:s7], $0x5FFFF  }
0xac: {  	[dreg:$0x1] =	wrdreg $0xFFFFFFFF  }
0xad: {  	[dreg:$0x0] =	wrdreg $0x60  }
0xae: {  	[dreg:$0x2] =	wrdreg s2  }
0xaf: {  	[dreg:$0x3] =	wrdreg s24  }
0xb0: {  	[dreg:$0x4] =	wrdreg $0xA8000  }
0xb1: {  	[dreg:$0x5] =	wrdreg $0x9  }
0xb2: {  	_ =	task.clear_ibuf [dreg:s7], $0x6FFFF;
	_ =	strace $0x90000049  }
0xb3: {  	s29 =	simm.s32 $0x9;
	_ =	strace $0x8000004B  }
0xb4: {  	_ =	swait.ge [sflag:s29], $0x1  }
0xb5: {  	[sflag:s29] =	ssyncadd.s32 $0xFFFFFFFF  }
0xb6: {  	_ =	strace $0x9000004B  }
0xb7: {  	_ =	sfence  }
0xb8: {  	s30 =	sld [smem:$0x0];
	_ =	sdelay $0x2  }
0xb9: {  	s31 =	sshll.u32 s1, $0xD;
	s1 =	sshrl.u32 s1, $0x2  }
0xba: {  	s3 =	sand.u32 $0x4000, s31;
	s1 =	sadd.s32 s1, s30  }
0xbb: {  	s0 =	sor.u32 s3, s0;
	s1 =	sshll.u32 s1, $0x11  }
0xbc: {  	s0 =	sor.u32 s1, s0  }
0xbd: {  	s0 =	sadd.s32 $0x8F2B, s0  }
0xbe: {  	[sflag:s0] =	ssyncadd.remote.s32 $0x1  }
0xbf: {  	_ =	sfence.sel $0xFFFF  }
0xc0: {  	[dreg:$0x0] =	wrdreg $0xFFFFFFFF;
	(pc) =	sbr.abs _section_cstart, $3  }
0xc1: {  	[dreg:$0x1] =	wrdreg $0xFFFFFFFF  }
0xc2: {  	_ =	task.clear_ibuf [dreg:s7], $0x2FFFF;
	_ =	strace $0x9FFFFFFF  }
0xc3: {  	(tm) =	ssettm $0x7FFFFFFF  }
tec
execute0_lowered:
.L_overlay_start_1:
0x0: {  	(tag) =	ssettag $0x1  }
0x1: {  	s2 =	rddreg [dreg:$0x0]  }
0x2: {  	s6 =	rddreg [dreg:$0x1]  }
0x3: {  	s3 =	rddreg [dreg:$0x2]  }
0x4: {  	s0 =	rddreg [dreg:$0x3]  }
0x5: {  	s1 =	stileid.u32;
	s4 =	simm.s32 $0x0;
	s7 =	srdreg.scid  }
0x6: {  	s18 =	simm.s32 $0x10;
	s19 =	simm.s32 $0xA000;
	s5 =	smul.u32 $0xA00, s1  }
0x7: {  	[smem:$0x7FF] =	sst s4;
	s7 =	sand.u32 $0x1, s7;
	s11 =	smul.u32 $0x29000, s1  }
0x8: {  	s12 =	sadd.s32 $0x1A00, s6;
	s28 =	sshll.u32 s1, $0x6;
	s13 =	smul.u32 $0xA400, s1  }
0x9: {  	s22 =	sadd.s32 $0x99C00, s3;
	p0 =	seq.s32 s1, $0xF;
	s25 =	smul.u32 $0xA0000, s7  }
0xa: {  	_ =	strace $0x8000004A;
	s9 =	ssub.s32 $0x2, s7;
	s20 =	smul.u32 $0xFFFFEC00, s7  }
0xb: {  	s8 =	sadd.s32 s5, s6;
	s5 =	sadd.s32 $0x1600, s6;
	s10 =	sshrl.u32 s9, $0x1  }
0xc: {  	s26 =	sshrl.u32 s11, $0x2;
	s6 =	sor.u32 $0x1C01, s28;
	s10 =	ssub.s32 s9, s10  }
0xd: {  	s21 =	sadd.s32 s26, s3;
	s29 =	sadd.s32 s13, s25;
	s9 =	sshrl.u32 s25, $0x3  }
0xe: {  	s7 =	sadd.s32 $0x53E00, s8;
	v0 =	vmov s20;
	s20 =	sshrl.u32 @p0 s22, $0x3;
	s22 =	simm.s32 $0x0  }
0xf: {  	s17 =	sadd.s32 $0xA000, s21;
	s30 =	sshrl.u32 s29, $0x3;
	s9 =	sadd.s32 s12, s9  }
0x10: {  	s10 =	smax.u32 s10, $0x1;
	s31 =	sadd.s32 $0x2000, s21;
	s14 =	sadd.s32 $0x4000, s21  }
0x11: {  	s15 =	sadd.s32 $0x6000, s21;
	s16 =	sadd.s32 $0x8000, s21;
	s11 =	sshrl.u32 s21, $0x3  }
0x12: {  	s21 =	sshrl.u32 @!p0 s21, $0x3;
	s8 =	sadd.s32 s12, s30;
	s9 =	sadd.s32 $0x13380, s9  }
0x13: {  	s12 =	simm.s32 $0x1;
	s13 =	sshrl.u32 s31, $0x3;
	s14 =	sshrl.u32 s14, $0x3  }
0x14: {  	s15 =	sshrl.u32 s15, $0x3;
	s16 =	sshrl.u32 s16, $0x3;
	s17 =	sshrl.u32 s17, $0x3  }
.LBB2_1:
0x15: {  	[spmem:s11], [sflag:s6] =	dma.local [hbm:s5], $0x400  }
0x16: {  	_ =	swait.ge [sflag:s12], $0x400  }
0x17: {  	[sflag:s12] =	ssyncset.done $0x0  }
0x18: {  	[sflag:s12] =	ssyncadd.s32 $0xFFFFFC00  }
0x19: {  	[spmem:s13], [sflag:s6] =	dma.local [hbm:s5], $0x400  }
0x1a: {  	_ =	swait.ge [sflag:s12], $0x400  }
0x1b: {  	[sflag:s12] =	ssyncset.done $0x0  }
0x1c: {  	[sflag:s12] =	ssyncadd.s32 $0xFFFFFC00  }
0x1d: {  	[spmem:s14], [sflag:s6] =	dma.local [hbm:s5], $0x400  }
0x1e: {  	_ =	swait.ge [sflag:s12], $0x400  }
0x1f: {  	[sflag:s12] =	ssyncset.done $0x0  }
0x20: {  	[sflag:s12] =	ssyncadd.s32 $0xFFFFFC00  }
0x21: {  	[spmem:s15], [sflag:s6] =	dma.local [hbm:s5], $0x400  }
0x22: {  	_ =	swait.ge [sflag:s12], $0x400  }
0x23: {  	[sflag:s12] =	ssyncset.done $0x0  }
0x24: {  	[sflag:s12] =	ssyncadd.s32 $0xFFFFFC00  }
0x25: {  	[spmem:s16], [sflag:s6] =	dma.local [hbm:s5], $0x400  }
0x26: {  	_ =	swait.ge [sflag:s12], $0x400  }
0x27: {  	[sflag:s12] =	ssyncset.done $0x0  }
0x28: {  	[sflag:s12] =	ssyncadd.s32 $0xFFFFFC00  }
0x29: {  	[spmem:s17], [sflag:s6] =	dma.local [hbm:s5], $0x80  }
0x2a: {  	_ =	swait.ge [sflag:s12], $0x80  }
0x2b: {  	[sflag:s12] =	ssyncset.done $0x0  }
0x2c: {  	[sflag:s12] =	ssyncadd.s32 $0xFFFFFF80  }
0x2d: {  	[tilespmem:s4], [sflag:$0x1] =	stream.linear.gather [hbm4b:s7+s4], $0x5000, $0x38;
	[tilespmem:$0x14C00] =	vst v63  }
0x2e: {  	_ =	swait.ge [sflag:s12], $0x5000  }
0x2f: {  	[sflag:s12] =	ssyncset.done $0x0  }
0x30: {  	s23 =	simm.s32 $0x0;
	[sflag:s12] =	ssyncadd.s32 $0xFFFFB000  }
0x31: {  	v5 =	vld [tilespmem:s23+$0x0]  }
0x32: {  	v7 =	vld [tilespmem:s23+$0x10]  }
0x33: {  	v4 =	vld [tilespmem:s23+$0x20]  }
0x34: {  	v1 =	vld [tilespmem:s23+$0x30]  }
0x35: {  	v2 =	vld [tilespmem:s23+$0x40]  }
0x36: {  	v3 =	vld [tilespmem:s23+$0x50];
	v6 =	vand.u32 $0x3FFF, v5;
	v5 =	vshrl.u32 v5, $0xE  }
0x37: {  	s24 =	simm.s32 $0x200;
	v8 =	vand.u32 $0x3FFF, v7;
	v7 =	vshrl.u32 v7, $0xE;
	[tilespmem:s23+$0x5000] =	vst v6;
	v6 =	vadd.s32 v0, v5;
	v5 =	vld [tilespmem:s23+$0x60]  }
.LBB2_2:
0x38: {  	p1 =	sne.s32 s24, $0x13E00;
	v6 =	vmin.u32 v6, $0x1400;
	[tilespmem:s23+$0x5010] =	vst v8;
	v7 =	vadd.s32 v0, v7;
	v8 =	vshrl.u32 v4, $0xE;
	v9 =	vld [tilespmem:s23+$0x70]  }
0x39: {  	[tilespmem:s23+$0x0] =	vst v6;
	v6 =	vmin.u32 v7, $0x1400;
	v7 =	vadd.s32 v0, v8;
	v8 =	vshrl.u32 v1, $0xE  }
0x3a: {  	[tilespmem:s23+$0x10] =	vst v6;
	v6 =	vmin.u32 v7, $0x1400;
	v7 =	vadd.s32 v0, v8;
	v8 =	vshrl.u32 v2, $0xE  }
0x3b: {  	[tilespmem:s23+$0x20] =	vst v6;
	v6 =	vmin.u32 v7, $0x1400;
	v7 =	vadd.s32 v0, v8;
	v8 =	vshrl.u32 v3, $0xE  }
0x3c: {  	[tilespmem:s23+$0x30] =	vst v6;
	v6 =	vmin.u32 v7, $0x1400;
	v7 =	vadd.s32 v0, v8;
	v8 =	vshrl.u32 v5, $0xE  }
0x3d: {  	[tilespmem:s23+$0x40] =	vst v6;
	v6 =	vmin.u32 v7, $0x1400;
	v7 =	vadd.s32 v0, v8;
	v8 =	vshrl.u32 v9, $0xE  }
0x3e: {  	v4 =	vand.u32 $0x3FFF, v4;
	[tilespmem:s23+$0x50] =	vst v6;
	v6 =	vmin.u32 v7, $0x1400;
	v7 =	vadd.s32 v0, v8  }
0x3f: {  	v1 =	vand.u32 $0x3FFF, v1;
	v2 =	vand.u32 $0x3FFF, v2;
	[tilespmem:s23+$0x60] =	vst v6;
	v6 =	vmin.u32 v7, $0x1400  }
0x40: {  	s25 =	sshra.s32 s24, $0x2;
	v3 =	vand.u32 $0x3FFF, v3;
	v5 =	vand.u32 $0x3FFF, v5;
	v7 =	vand.u32 $0x3FFF, v9;
	[tilespmem:s23+$0x70] =	vst v6  }
0x41: {  	v6 =	vld [tilespmem:s25+$0x0];
	[tilespmem:s23+$0x5020] =	vst v4  }
0x42: {  	v9 =	vld [tilespmem:s25+$0x10];
	[tilespmem:s23+$0x5030] =	vst v1  }
.Ltmp0:
0x43: {  	v4 =	vld [tilespmem:s25+$0x20];
	[tilespmem:s23+$0x5040] =	vst v2;
	(pc) =	sbr.rel @p1 .LBB2_2-.Ltmp0, $4  }
0x44: {  	v1 =	vld [tilespmem:s25+$0x30];
	[tilespmem:s23+$0x5050] =	vst v3  }
0x45: {  	v2 =	vld [tilespmem:s25+$0x40];
	[tilespmem:s23+$0x5060] =	vst v5  }
0x46: {  	v5 =	vand.u32 $0x3FFF, v6;
	v6 =	vshrl.u32 v6, $0xE;
	v3 =	vld [tilespmem:s25+$0x50];
	[tilespmem:s23+$0x5070] =	vst v7;
	s23 =	smov.u32 s25  }
0x47: {  	s24 =	sadd.s32 $0x200, s24;
	[tilespmem:s23+$0x5000] =	vst v5;
	v6 =	vadd.s32 v0, v6;
	v8 =	vand.u32 $0x3FFF, v9;
	v7 =	vshrl.u32 v9, $0xE;
	v5 =	vld [tilespmem:s23+$0x60]  }
0x48: {  	[tilespmem:s23+$0x5010] =	vst v8;
	v6 =	vmin.u32 v6, $0x1400  }
0x49: {  	v7 =	vadd.s32 v0, v7;
	v63 =	vand.u32 $0x3FFF, v4;
	[tilespmem:s23+$0x0] =	vst v6  }
0x4a: {  	v44 =	vshrl.u32 v4, $0xE;
	v45 =	vmin.u32 v7, $0x1400;
	[tilespmem:s23+$0x5020] =	vst v63  }
0x4b: {  	v46 =	vadd.s32 v0, v44;
	v47 =	vshrl.u32 v1, $0xE;
	v1 =	vand.u32 $0x3FFF, v1;
	[tilespmem:s23+$0x10] =	vst v45  }
0x4c: {  	v48 =	vmin.u32 v46, $0x1400;
	[tilespmem:s23+$0x5030] =	vst v1  }
0x4d: {  	v49 =	vadd.s32 v0, v47;
	v50 =	vshrl.u32 v2, $0xE;
	v2 =	vand.u32 $0x3FFF, v2;
	[tilespmem:s23+$0x20] =	vst v48  }
0x4e: {  	v9 =	vld [tilespmem:s23+$0x70];
	v51 =	vmin.u32 v49, $0x1400;
	[tilespmem:s23+$0x5040] =	vst v2  }
0x4f: {  	v52 =	vadd.s32 v0, v50;
	v1 =	vand.u32 $0x3FFF, v3;
	[tilespmem:s23+$0x30] =	vst v51  }
0x50: {  	v53 =	vshrl.u32 v3, $0xE;
	v54 =	vmin.u32 v52, $0x1400;
	[tilespmem:s23+$0x5050] =	vst v1  }
0x51: {  	v55 =	vadd.s32 v0, v53;
	v2 =	vand.u32 $0x3FFF, v5;
	[tilespmem:s23+$0x40] =	vst v54  }
0x52: {  	v56 =	vshrl.u32 v5, $0xE;
	v57 =	vmin.u32 v55, $0x1400;
	[tilespmem:s23+$0x5060] =	vst v2  }
0x53: {  	v58 =	vadd.s32 v0, v56;
	v59 =	vshrl.u32 v9, $0xE;
	v1 =	vand.u32 $0x3FFF, v9;
	[tilespmem:s23+$0x50] =	vst v57  }
0x54: {  	v60 =	vmin.u32 v58, $0x1400;
	v61 =	vadd.s32 v0, v59;
	[tilespmem:s23+$0x5070] =	vst v1  }
0x55: {  	[tilespmem:s23+$0x60] =	vst v60;
	v62 =	vmin.u32 v61, $0x1400  }
0x56: {  	[tilespmem:s23+$0x70] =	vst v62  }
0x57: {  	s30 =	simm.s32 $0x5000;
	[bflag:$0x0] =	sbarrier.arrive $0xFFFF  }
0x58: {  	[tilespmem:s19], [sflag:$0x1] =	stream.indirect.gather [hbm4b:s2+s18], $0x80, s30, s18, $0xb8;
	[tilespmem:$0x14C00] =	vst v63  }
0x59: {  	_ =	swait.ge [sflag:s12], $0x800  }
0x5a: {  	[sflag:s12] =	ssyncset.done $0x0  }
0x5b: {  	s31 =	simm.s32 $0x0;
	[sflag:s12] =	ssyncadd.s32 $0xFFFFF800  }
0x5c: {  	[spmem:s3] =	stream.indirect.scatter.add.f32 [tilespmem:s19], [sflag:$0x1], $0x80, s31, s18, $0xb8;
	[tilespmem:$0x14C00] =	vst v63  }
0x5d: {  	_ =	swait.ge [sflag:s12], $0x800  }
0x5e: {  	[sflag:s12] =	ssyncset.done $0x0  }
0x5f: {  	s24 =	simm.s32 $0x5010;
	[sflag:s12] =	ssyncadd.s32 $0xFFFFF800  }
0x60: {  	[tilespmem:s19], [sflag:$0x1] =	stream.indirect.gather [hbm4b:s2+s18], $0x80, s24, s18, $0xb8;
	[tilespmem:$0x14C00] =	vst v63  }
0x61: {  	_ =	swait.ge [sflag:s12], $0x800  }
0x62: {  	[sflag:s12] =	ssyncset.done $0x0  }
0x63: {  	s25 =	simm.s32 $0x10;
	[sflag:s12] =	ssyncadd.s32 $0xFFFFF800  }
0x64: {  	[spmem:s3] =	stream.indirect.scatter.add.f32 [tilespmem:s19], [sflag:$0x1], $0x80, s25, s18, $0xb8;
	[tilespmem:$0x14C00] =	vst v63  }
0x65: {  	_ =	swait.ge [sflag:s12], $0x800  }
0x66: {  	[sflag:s12] =	ssyncset.done $0x0  }
0x67: {  	s26 =	simm.s32 $0x5020;
	[sflag:s12] =	ssyncadd.s32 $0xFFFFF800  }
0x68: {  	[tilespmem:s19], [sflag:$0x1] =	stream.indirect.gather [hbm4b:s2+s18], $0x80, s26, s18, $0xb8;
	[tilespmem:$0x14C00] =	vst v63  }
0x69: {  	_ =	swait.ge [sflag:s12], $0x800  }
0x6a: {  	[sflag:s12] =	ssyncset.done $0x0  }
0x6b: {  	s28 =	simm.s32 $0x20;
	[sflag:s12] =	ssyncadd.s32 $0xFFFFF800  }
0x6c: {  	[spmem:s3] =	stream.indirect.scatter.add.f32 [tilespmem:s19], [sflag:$0x1], $0x80, s28, s18, $0xb8;
	[tilespmem:$0x14C00] =	vst v63  }
0x6d: {  	_ =	swait.ge [sflag:s12], $0x800  }
0x6e: {  	[sflag:s12] =	ssyncset.done $0x0  }
0x6f: {  	s29 =	simm.s32 $0x5030;
	[sflag:s12] =	ssyncadd.s32 $0xFFFFF800  }
0x70: {  	[tilespmem:s19], [sflag:$0x1] =	stream.indirect.gather [hbm4b:s2+s18], $0x80, s29, s18, $0xb8;
	[tilespmem:$0x14C00] =	vst v63  }
0x71: {  	_ =	swait.ge [sflag:s12], $0x800  }
0x72: {  	[sflag:s12] =	ssyncset.done $0x0  }
0x73: {  	s30 =	simm.s32 $0x30;
	[sflag:s12] =	ssyncadd.s32 $0xFFFFF800  }
0x74: {  	[spmem:s3] =	stream.indirect.scatter.add.f32 [tilespmem:s19], [sflag:$0x1], $0x80, s30, s18, $0xb8;
	[tilespmem:$0x14C00] =	vst v63  }
0x75: {  	_ =	swait.ge [sflag:s12], $0x800  }
0x76: {  	[sflag:s12] =	ssyncset.done $0x0  }
0x77: {  	s31 =	simm.s32 $0x5040;
	[sflag:s12] =	ssyncadd.s32 $0xFFFFF800  }
0x78: {  	[tilespmem:s19], [sflag:$0x1] =	stream.indirect.gather [hbm4b:s2+s18], $0x80, s31, s18, $0xb8;
	[tilespmem:$0x14C00] =	vst v63  }
0x79: {  	_ =	swait.ge [sflag:s12], $0x800  }
0x7a: {  	[sflag:s12] =	ssyncset.done $0x0  }
0x7b: {  	s24 =	simm.s32 $0x40;
	[sflag:s12] =	ssyncadd.s32 $0xFFFFF800  }
0x7c: {  	[spmem:s3] =	stream.indirect.scatter.add.f32 [tilespmem:s19], [sflag:$0x1], $0x80, s24, s18, $0xb8;
	[tilespmem:$0x14C00] =	vst v63  }
0x7d: {  	_ =	swait.ge [sflag:s12], $0x800  }
0x7e: {  	[sflag:s12] =	ssyncset.done $0x0  }
0x7f: {  	s25 =	simm.s32 $0x5050;
	[sflag:s12] =	ssyncadd.s32 $0xFFFFF800  }
0x80: {  	[tilespmem:s19], [sflag:$0x1] =	stream.indirect.gather [hbm4b:s2+s18], $0x80, s25, s18, $0xb8;
	[tilespmem:$0x14C00] =	vst v63  }
0x81: {  	_ =	swait.ge [sflag:s12], $0x800  }
0x82: {  	[sflag:s12] =	ssyncset.done $0x0  }
0x83: {  	s26 =	simm.s32 $0x50;
	[sflag:s12] =	ssyncadd.s32 $0xFFFFF800  }
0x84: {  	[spmem:s3] =	stream.indirect.scatter.add.f32 [tilespmem:s19], [sflag:$0x1], $0x80, s26, s18, $0xb8;
	[tilespmem:$0x14C00] =	vst v63  }
0x85: {  	_ =	swait.ge [sflag:s12], $0x800  }
0x86: {  	[sflag:s12] =	ssyncset.done $0x0  }
0x87: {  	s28 =	simm.s32 $0x5060;
	[sflag:s12] =	ssyncadd.s32 $0xFFFFF800  }
0x88: {  	[tilespmem:s19], [sflag:$0x1] =	stream.indirect.gather [hbm4b:s2+s18], $0x80, s28, s18, $0xb8;
	[tilespmem:$0x14C00] =	vst v63  }
0x89: {  	_ =	swait.ge [sflag:s12], $0x800  }
0x8a: {  	[sflag:s12] =	ssyncset.done $0x0  }
0x8b: {  	s29 =	simm.s32 $0x60;
	[sflag:s12] =	ssyncadd.s32 $0xFFFFF800  }
0x8c: {  	[spmem:s3] =	stream.indirect.scatter.add.f32 [tilespmem:s19], [sflag:$0x1], $0x80, s29, s18, $0xb8;
	[tilespmem:$0x14C00] =	vst v63  }
0x8d: {  	_ =	swait.ge [sflag:s12], $0x800  }
0x8e: {  	[sflag:s12] =	ssyncset.done $0x0  }
0x8f: {  	s30 =	simm.s32 $0x5070;
	[sflag:s12] =	ssyncadd.s32 $0xFFFFF800  }
0x90: {  	[tilespmem:s19], [sflag:$0x1] =	stream.indirect.gather [hbm4b:s2+s18], $0x80, s30, s18, $0xb8;
	[tilespmem:$0x14C00] =	vst v63  }
0x91: {  	_ =	swait.ge [sflag:s12], $0x800  }
0x92: {  	[sflag:s12] =	ssyncset.done $0x0  }
0x93: {  	s31 =	simm.s32 $0x70;
	[sflag:s12] =	ssyncadd.s32 $0xFFFFF800  }
0x94: {  	[spmem:s3] =	stream.indirect.scatter.add.f32 [tilespmem:s19], [sflag:$0x1], $0x80, s31, s18, $0xb8;
	[tilespmem:$0x14C00] =	vst v63  }
0x95: {  	_ =	swait.ge [sflag:s12], $0x800  }
0x96: {  	s23 =	simm.s32 $0x80;
	s26 =	simm.s32 $0x400;
	[sflag:s12] =	ssyncset.done $0x0  }
.LBB2_4:
0x97: {  	s28 =	sadd.s32 $0x5000, s23  }
0x98: {  	[sflag:s12] =	ssyncadd.s32 $0xFFFFF800;
	s25 =	smov.u32 s26;
	s24 =	sadd.s32 $0x200, s26  }
0x99: {  	[tilespmem:s19], [sflag:$0x1] =	stream.indirect.gather [hbm4b:s2+s18], $0x80, s28, s18, $0xb8;
	[tilespmem:$0x14C00] =	vst v63  }
0x9a: {  	p1 =	sne.s32 s26, $0x13E00;
	_ =	swait.ge [sflag:s12], $0x800  }
0x9b: {  	[sflag:s12] =	ssyncset.done $0x0  }
0x9c: {  	[sflag:s12] =	ssyncadd.s32 $0xFFFFF800  }
0x9d: {  	[spmem:s3] =	stream.indirect.scatter.add.f32 [tilespmem:s19], [sflag:$0x1], $0x80, s23, s18, $0xb8;
	[tilespmem:$0x14C00] =	vst v63  }
0x9e: {  	_ =	swait.ge [sflag:s12], $0x800  }
0x9f: {  	[sflag:s12] =	ssyncset.done $0x0  }
0xa0: {  	s26 =	sadd.s32 $0x5010, s23;
	[sflag:s12] =	ssyncadd.s32 $0xFFFFF800  }
0xa1: {  	[tilespmem:s19], [sflag:$0x1] =	stream.indirect.gather [hbm4b:s2+s18], $0x80, s26, s18, $0xb8;
	[tilespmem:$0x14C00] =	vst v63  }
0xa2: {  	_ =	swait.ge [sflag:s12], $0x800  }
0xa3: {  	[sflag:s12] =	ssyncset.done $0x0  }
0xa4: {  	s26 =	sadd.s32 $0x10, s23;
	[sflag:s12] =	ssyncadd.s32 $0xFFFFF800  }
0xa5: {  	[spmem:s3] =	stream.indirect.scatter.add.f32 [tilespmem:s19], [sflag:$0x1], $0x80, s26, s18, $0xb8;
	[tilespmem:$0x14C00] =	vst v63  }
0xa6: {  	_ =	swait.ge [sflag:s12], $0x800  }
0xa7: {  	[sflag:s12] =	ssyncset.done $0x0  }
0xa8: {  	s26 =	sadd.s32 $0x5020, s23;
	[sflag:s12] =	ssyncadd.s32 $0xFFFFF800  }
0xa9: {  	[tilespmem:s19], [sflag:$0x1] =	stream.indirect.gather [hbm4b:s2+s18], $0x80, s26, s18, $0xb8;
	[tilespmem:$0x14C00] =	vst v63  }
0xaa: {  	_ =	swait.ge [sflag:s12], $0x800  }
0xab: {  	[sflag:s12] =	ssyncset.done $0x0  }
0xac: {  	s26 =	sadd.s32 $0x20, s23;
	[sflag:s12] =	ssyncadd.s32 $0xFFFFF800  }
0xad: {  	[spmem:s3] =	stream.indirect.scatter.add.f32 [tilespmem:s19], [sflag:$0x1], $0x80, s26, s18, $0xb8;
	[tilespmem:$0x14C00] =	vst v63  }
0xae: {  	_ =	swait.ge [sflag:s12], $0x800  }
0xaf: {  	[sflag:s12] =	ssyncset.done $0x0  }
0xb0: {  	s26 =	sadd.s32 $0x5030, s23;
	[sflag:s12] =	ssyncadd.s32 $0xFFFFF800  }
0xb1: {  	[tilespmem:s19], [sflag:$0x1] =	stream.indirect.gather [hbm4b:s2+s18], $0x80, s26, s18, $0xb8;
	[tilespmem:$0x14C00] =	vst v63  }
0xb2: {  	_ =	swait.ge [sflag:s12], $0x800  }
0xb3: {  	[sflag:s12] =	ssyncset.done $0x0  }
0xb4: {  	s26 =	sadd.s32 $0x30, s23;
	[sflag:s12] =	ssyncadd.s32 $0xFFFFF800  }
0xb5: {  	[spmem:s3] =	stream.indirect.scatter.add.f32 [tilespmem:s19], [sflag:$0x1], $0x80, s26, s18, $0xb8;
	[tilespmem:$0x14C00] =	vst v63  }
0xb6: {  	_ =	swait.ge [sflag:s12], $0x800  }
0xb7: {  	[sflag:s12] =	ssyncset.done $0x0  }
0xb8: {  	s26 =	sadd.s32 $0x5040, s23;
	[sflag:s12] =	ssyncadd.s32 $0xFFFFF800  }
0xb9: {  	[tilespmem:s19], [sflag:$0x1] =	stream.indirect.gather [hbm4b:s2+s18], $0x80, s26, s18, $0xb8;
	[tilespmem:$0x14C00] =	vst v63  }
0xba: {  	_ =	swait.ge [sflag:s12], $0x800  }
0xbb: {  	[sflag:s12] =	ssyncset.done $0x0  }
0xbc: {  	s26 =	sadd.s32 $0x40, s23;
	[sflag:s12] =	ssyncadd.s32 $0xFFFFF800  }
0xbd: {  	[spmem:s3] =	stream.indirect.scatter.add.f32 [tilespmem:s19], [sflag:$0x1], $0x80, s26, s18, $0xb8;
	[tilespmem:$0x14C00] =	vst v63  }
0xbe: {  	_ =	swait.ge [sflag:s12], $0x800  }
0xbf: {  	[sflag:s12] =	ssyncset.done $0x0  }
0xc0: {  	s26 =	sadd.s32 $0x5050, s23;
	[sflag:s12] =	ssyncadd.s32 $0xFFFFF800  }
0xc1: {  	[tilespmem:s19], [sflag:$0x1] =	stream.indirect.gather [hbm4b:s2+s18], $0x80, s26, s18, $0xb8;
	[tilespmem:$0x14C00] =	vst v63  }
0xc2: {  	_ =	swait.ge [sflag:s12], $0x800  }
0xc3: {  	[sflag:s12] =	ssyncset.done $0x0  }
0xc4: {  	s26 =	sadd.s32 $0x50, s23;
	[sflag:s12] =	ssyncadd.s32 $0xFFFFF800  }
0xc5: {  	[spmem:s3] =	stream.indirect.scatter.add.f32 [tilespmem:s19], [sflag:$0x1], $0x80, s26, s18, $0xb8;
	[tilespmem:$0x14C00] =	vst v63  }
0xc6: {  	_ =	swait.ge [sflag:s12], $0x800  }
0xc7: {  	[sflag:s12] =	ssyncset.done $0x0  }
0xc8: {  	s26 =	sadd.s32 $0x5060, s23;
	[sflag:s12] =	ssyncadd.s32 $0xFFFFF800  }
0xc9: {  	[tilespmem:s19], [sflag:$0x1] =	stream.indirect.gather [hbm4b:s2+s18], $0x80, s26, s18, $0xb8;
	[tilespmem:$0x14C00] =	vst v63  }
0xca: {  	_ =	swait.ge [sflag:s12], $0x800  }
0xcb: {  	[sflag:s12] =	ssyncset.done $0x0  }
0xcc: {  	s26 =	sadd.s32 $0x60, s23;
	[sflag:s12] =	ssyncadd.s32 $0xFFFFF800  }
0xcd: {  	[spmem:s3] =	stream.indirect.scatter.add.f32 [tilespmem:s19], [sflag:$0x1], $0x80, s26, s18, $0xb8;
	[tilespmem:$0x14C00] =	vst v63  }
0xce: {  	_ =	swait.ge [sflag:s12], $0x800  }
0xcf: {  	[sflag:s12] =	ssyncset.done $0x0  }
0xd0: {  	s26 =	sadd.s32 $0x5070, s23;
	[sflag:s12] =	ssyncadd.s32 $0xFFFFF800  }
0xd1: {  	[tilespmem:s19], [sflag:$0x1] =	stream.indirect.gather [hbm4b:s2+s18], $0x80, s26, s18, $0xb8;
	[tilespmem:$0x14C00] =	vst v63  }
0xd2: {  	_ =	swait.ge [sflag:s12], $0x800  }
.Ltmp1:
0xd3: {  	[sflag:s12] =	ssyncset.done $0x0;
	(pc) =	sbr.rel @p1 .LBB2_4-.Ltmp1, $4  }
0xd4: {  	s23 =	sadd.s32 $0x70, s23;
	[sflag:s12] =	ssyncadd.s32 $0xFFFFF800  }
0xd5: {  	[spmem:s3] =	stream.indirect.scatter.add.f32 [tilespmem:s19], [sflag:$0x1], $0x80, s23, s18, $0xb8;
	[tilespmem:$0x14C00] =	vst v63  }
0xd6: {  	_ =	swait.ge [sflag:s12], $0x800  }
0xd7: {  	s26 =	smov.u32 s24;
	s23 =	sshra.s32 s25, $0x2;
	[sflag:s12] =	ssyncset.done $0x0  }
0xd8: {  	s24 =	sadd.s32 $0x5000, s23;
	[sflag:s12] =	ssyncadd.s32 $0xFFFFF800  }
0xd9: {  	[tilespmem:s19], [sflag:$0x1] =	stream.indirect.gather [hbm4b:s2+s18], $0x80, s24, s18, $0xb8;
	[tilespmem:$0x14C00] =	vst v63  }
0xda: {  	_ =	swait.ge [sflag:s12], $0x800  }
0xdb: {  	[sflag:s12] =	ssyncset.done $0x0  }
0xdc: {  	[sflag:s12] =	ssyncadd.s32 $0xFFFFF800  }
0xdd: {  	[spmem:s3] =	stream.indirect.scatter.add.f32 [tilespmem:s19], [sflag:$0x1], $0x80, s23, s18, $0xb8;
	[tilespmem:$0x14C00] =	vst v63  }
0xde: {  	_ =	swait.ge [sflag:s12], $0x800  }
0xdf: {  	[sflag:s12] =	ssyncset.done $0x0  }
0xe0: {  	s30 =	sadd.s32 $0x5010, s23;
	[sflag:s12] =	ssyncadd.s32 $0xFFFFF800  }
0xe1: {  	[tilespmem:s19], [sflag:$0x1] =	stream.indirect.gather [hbm4b:s2+s18], $0x80, s30, s18, $0xb8;
	[tilespmem:$0x14C00] =	vst v63  }
0xe2: {  	_ =	swait.ge [sflag:s12], $0x800  }
0xe3: {  	[sflag:s12] =	ssyncset.done $0x0  }
0xe4: {  	s31 =	sadd.s32 $0x10, s23;
	[sflag:s12] =	ssyncadd.s32 $0xFFFFF800  }
0xe5: {  	[spmem:s3] =	stream.indirect.scatter.add.f32 [tilespmem:s19], [sflag:$0x1], $0x80, s31, s18, $0xb8;
	[tilespmem:$0x14C00] =	vst v63  }
0xe6: {  	_ =	swait.ge [sflag:s12], $0x800  }
0xe7: {  	[sflag:s12] =	ssyncset.done $0x0  }
0xe8: {  	s25 =	sadd.s32 $0x5020, s23;
	[sflag:s12] =	ssyncadd.s32 $0xFFFFF800  }
0xe9: {  	[tilespmem:s19], [sflag:$0x1] =	stream.indirect.gather [hbm4b:s2+s18], $0x80, s25, s18, $0xb8;
	[tilespmem:$0x14C00] =	vst v63  }
0xea: {  	_ =	swait.ge [sflag:s12], $0x800  }
0xeb: {  	[sflag:s12] =	ssyncset.done $0x0  }
0xec: {  	s26 =	sadd.s32 $0x20, s23;
	[sflag:s12] =	ssyncadd.s32 $0xFFFFF800  }
0xed: {  	[spmem:s3] =	stream.indirect.scatter.add.f32 [tilespmem:s19], [sflag:$0x1], $0x80, s26, s18, $0xb8;
	[tilespmem:$0x14C00] =	vst v63  }
0xee: {  	_ =	swait.ge [sflag:s12], $0x800  }
0xef: {  	[sflag:s12] =	ssyncset.done $0x0  }
0xf0: {  	s28 =	sadd.s32 $0x5030, s23;
	[sflag:s12] =	ssyncadd.s32 $0xFFFFF800  }
0xf1: {  	[tilespmem:s19], [sflag:$0x1] =	stream.indirect.gather [hbm4b:s2+s18], $0x80, s28, s18, $0xb8;
	[tilespmem:$0x14C00] =	vst v63  }
0xf2: {  	_ =	swait.ge [sflag:s12], $0x800  }
0xf3: {  	[sflag:s12] =	ssyncset.done $0x0  }
0xf4: {  	s29 =	sadd.s32 $0x30, s23;
	[sflag:s12] =	ssyncadd.s32 $0xFFFFF800  }
0xf5: {  	[spmem:s3] =	stream.indirect.scatter.add.f32 [tilespmem:s19], [sflag:$0x1], $0x80, s29, s18, $0xb8;
	[tilespmem:$0x14C00] =	vst v63  }
0xf6: {  	_ =	swait.ge [sflag:s12], $0x800  }
0xf7: {  	[sflag:s12] =	ssyncset.done $0x0  }
0xf8: {  	s30 =	sadd.s32 $0x5040, s23;
	[sflag:s12] =	ssyncadd.s32 $0xFFFFF800  }
0xf9: {  	[tilespmem:s19], [sflag:$0x1] =	stream.indirect.gather [hbm4b:s2+s18], $0x80, s30, s18, $0xb8;
	[tilespmem:$0x14C00] =	vst v63  }
0xfa: {  	_ =	swait.ge [sflag:s12], $0x800  }
0xfb: {  	[sflag:s12] =	ssyncset.done $0x0  }
0xfc: {  	s31 =	sadd.s32 $0x40, s23;
	[sflag:s12] =	ssyncadd.s32 $0xFFFFF800  }
0xfd: {  	[spmem:s3] =	stream.indirect.scatter.add.f32 [tilespmem:s19], [sflag:$0x1], $0x80, s31, s18, $0xb8;
	[tilespmem:$0x14C00] =	vst v63  }
0xfe: {  	_ =	swait.ge [sflag:s12], $0x800  }
0xff: {  	[sflag:s12] =	ssyncset.done $0x0  }
0x100: {  	s25 =	sadd.s32 $0x5050, s23;
	[sflag:s12] =	ssyncadd.s32 $0xFFFFF800  }
0x101: {  	[tilespmem:s19], [sflag:$0x1] =	stream.indirect.gather [hbm4b:s2+s18], $0x80, s25, s18, $0xb8;
	[tilespmem:$0x14C00] =	vst v63  }
0x102: {  	_ =	swait.ge [sflag:s12], $0x800  }
0x103: {  	[sflag:s12] =	ssyncset.done $0x0  }
0x104: {  	s26 =	sadd.s32 $0x50, s23;
	[sflag:s12] =	ssyncadd.s32 $0xFFFFF800  }
0x105: {  	[spmem:s3] =	stream.indirect.scatter.add.f32 [tilespmem:s19], [sflag:$0x1], $0x80, s26, s18, $0xb8;
	[tilespmem:$0x14C00] =	vst v63  }
0x106: {  	_ =	swait.ge [sflag:s12], $0x800  }
0x107: {  	[sflag:s12] =	ssyncset.done $0x0  }
0x108: {  	s28 =	sadd.s32 $0x5060, s23;
	[sflag:s12] =	ssyncadd.s32 $0xFFFFF800  }
0x109: {  	[tilespmem:s19], [sflag:$0x1] =	stream.indirect.gather [hbm4b:s2+s18], $0x80, s28, s18, $0xb8;
	[tilespmem:$0x14C00] =	vst v63  }
0x10a: {  	_ =	swait.ge [sflag:s12], $0x800  }
0x10b: {  	[sflag:s12] =	ssyncset.done $0x0  }
0x10c: {  	s29 =	sadd.s32 $0x60, s23;
	[sflag:s12] =	ssyncadd.s32 $0xFFFFF800  }
0x10d: {  	[spmem:s3] =	stream.indirect.scatter.add.f32 [tilespmem:s19], [sflag:$0x1], $0x80, s29, s18, $0xb8;
	[tilespmem:$0x14C00] =	vst v63  }
0x10e: {  	_ =	swait.ge [sflag:s12], $0x800  }
0x10f: {  	[sflag:s12] =	ssyncset.done $0x0  }
0x110: {  	s30 =	sadd.s32 $0x5070, s23;
	[sflag:s12] =	ssyncadd.s32 $0xFFFFF800  }
0x111: {  	[tilespmem:s19], [sflag:$0x1] =	stream.indirect.gather [hbm4b:s2+s18], $0x80, s30, s18, $0xb8;
	[tilespmem:$0x14C00] =	vst v63  }
0x112: {  	_ =	swait.ge [sflag:s12], $0x800  }
0x113: {  	[sflag:s12] =	ssyncset.done $0x0  }
0x114: {  	s31 =	sadd.s32 $0x70, s23;
	[sflag:s12] =	ssyncadd.s32 $0xFFFFF800  }
0x115: {  	[spmem:s3] =	stream.indirect.scatter.add.f32 [tilespmem:s19], [sflag:$0x1], $0x80, s31, s18, $0xb8;
	[tilespmem:$0x14C00] =	vst v63  }
0x116: {  	_ =	swait.ge [sflag:s12], $0x800  }
0x117: {  	[sflag:s12] =	ssyncset.done $0x0  }
0x118: {  	[sflag:s12] =	ssyncadd.s32 $0xFFFFF800  }
0x119: {  	s23 =	simm.s32 @p0 $0x1;
	[bflag:$0x0] =	sbarrier.arrive $0xFFFF  }
0x11a: {  	[hbm:s9], [sflag:s6] =	dma.local @p0 [spmem:s20], $0xC80  }
0x11b: {  	s22 =	sadd.s32 $0x1, s22;
	_ =	swait.ge @p0 [sflag:s23], $0xC80  }
0x11c: {  	p1 =	sne.s32 s22, s10;
	[sflag:s23] =	ssyncset.done @p0 $0x0  }
.Ltmp2:
0x11d: {  	[sflag:s23] =	ssyncadd.s32 @p0 $0xFFFFF380;
	s23 =	simm.s32 @!p0 $0x1;
	(pc) =	sbr.rel @p1 .LBB2_1-.Ltmp2, $4  }
0x11e: {  	[hbm:s8], [sflag:s6] =	dma.local @!p0 [spmem:s21], $0x1480  }
0x11f: {  	_ =	swait.ge @!p0 [sflag:s23], $0x1480  }
0x120: {  	[sflag:s23] =	ssyncset.done @!p0 $0x0  }
0x121: {  	[sflag:s23] =	ssyncadd.s32 @!p0 $0xFFFFEB80  }
0x122: {  	_ =	sfence.sel $0x180000  }
0x123: {  	[bflag:$0x0] =	sbarrier.arrive $0xFFFF  }
0x124: {  	p0 =	sne.s32 s1, $0x0;
	_ =	strace $0x9000004A  }
0x125: {  	s0 =	sadd.s32 @!p0 $0x100000, s0;
	[bflag:$0x2] =	sbarrier.arrive $0xFFFF  }
0x126: {  	[sflag:s0] =	ssyncadd.tile.s32 @!p0 $0x1;
	_ =	shalt  }
.Lfunc_end2:
_tile_overlayer_lowered:
.L_overlay_start_2:
0x127: {  	(tag) =	ssettag $0x2  }
0x128: {  	s0 =	rddreg [dreg:$0x0];
	s2 =	stileid.u32  }
0x129: {  	s1 =	rddreg [dreg:$0x1];
	p0 =	sne.s32 s2, $0x0  }
0x12a: {  	s3 =	rddreg [dreg:$0x2];
	[bflag:$0x3] =	sbarrier.arrive $0xFFFF;
	s2 =	simm.s32 @!p0 $0x1C01  }
0x12b: {  	[timem:s3], [sflag:s2] =	dma.local @!p0 [hbm:s0], s1  }
0x12c: {  	s0 =	simm.s32 @!p0 $0x1  }
0x12d: {  	_ =	swait.ge @!p0 [sflag:s0], s1  }
0x12e: {  	s1 =	ssub.s32 @!p0 $0x0, s1;
	[sflag:s0] =	ssyncset.done @!p0 $0x0  }
0x12f: {  	[sflag:s0] =	ssyncadd.s32 @!p0 s1  }
0x130: {  	[bflag:$0x3] =	sbarrier.arrive $0xFFFF  }
0x131: {  	_ =	shalt  }

</sc_bundles>
